<compile_context>
chip_gen: v7x
topology: tpu7x:2x2x1
jax: 0.10.2.dev20260603
libtpu: 0.0.44.dev20260713+nightly
codegen_flags: <defaults>
</compile_context>

<pallas_src>
import functools

import jax
import jax.numpy as jnp
from jax import lax
from jax.experimental import pallas as pl
from jax.experimental.pallas import tpu as pltpu
from jax.experimental.pallas import tpu_sc as plsc

_VOCAB = 257216
_EMBED = 2304
_NC = 2
_NS = 16
_NW = _NC * _NS


def _build_gather(batch: int):
    b_per_w = batch // _NW
    chunk = 8
    n_chunk = b_per_w // chunk
    nbuf = 4

    mesh = plsc.VectorSubcoreMesh(core_axis_name="c", subcore_axis_name="s")

    @functools.partial(
        pl.kernel,
        mesh=mesh,
        out_type=jax.ShapeDtypeStruct((batch, _EMBED), jnp.float32),
        scratch_types=[
            pltpu.VMEM((b_per_w,), jnp.int32),
            pltpu.VMEM_SHARED((_NS, 2, chunk, _EMBED), jnp.float32),
        ] + [pltpu.VMEM((chunk, _EMBED), jnp.float32)] * nbuf
          + [pltpu.SemaphoreType.DMA] * (2 * nbuf + 2),
    )
    def gather_kernel(idx_hbm, table_hbm, out_hbm, idx_v, spmem,
                      *bufs_and_sems):
        bufs = bufs_and_sems[:nbuf]
        gsems = bufs_and_sems[nbuf:2 * nbuf]
        csems = bufs_and_sems[2 * nbuf:3 * nbuf]
        ssems = bufs_and_sems[3 * nbuf:]
        sid = lax.axis_index("s")
        wid = sid * _NC + lax.axis_index("c")
        base = wid * b_per_w
        pltpu.sync_copy(idx_hbm.at[pl.ds(base, b_per_w)], idx_v)

        def g_start(i, b):
            off = pl.multiple_of(i * chunk, 8)
            pltpu.async_copy(
                table_hbm.at[idx_v.at[pl.ds(off, chunk)]], bufs[b], gsems[b])

        def g_wait(i, b):
            off = pl.multiple_of(i * chunk, 8)
            pltpu.make_async_copy(
                table_hbm.at[idx_v.at[pl.ds(off, chunk)]], bufs[b],
                gsems[b]).wait()

        def c_start(b, p):
            pltpu.async_copy(bufs[b], spmem.at[sid, p], csems[b])

        def c_wait(b, p):
            pltpu.make_async_copy(bufs[b], spmem.at[sid, p], csems[b]).wait()

        def s_start(i, p):
            off = pl.multiple_of(i * chunk, 8)
            pltpu.async_copy(spmem.at[sid, p],
                             out_hbm.at[pl.ds(base + off, chunk)], ssems[p])

        def s_wait(i, p):
            off = pl.multiple_of(i * chunk, 8)
            pltpu.make_async_copy(
                spmem.at[sid, p], out_hbm.at[pl.ds(base + off, chunk)],
                ssems[p]).wait()

        g_start(0, 0)
        g_start(1, 1)

        def emit_slot(i, b):
            p = b % 2
            g_wait(i, b)
            s_wait(i - 2, p)
            c_start(b, p)
            c_wait((b - 1) % nbuf, (p - 1) % 2)
            s_start(i - 1, (p - 1) % 2)
            g_start(i + 2, (b + 2) % nbuf)

        g_wait(0, 0)
        c_start(0, 0)
        g_start(2, 2)
        g_wait(1, 1)
        c_start(1, 1)
        c_wait(0, 0)
        s_start(0, 0)
        g_start(3, 3)

        n_steady = (n_chunk - 2 - 2) // nbuf
        def body(g, carry):
            for j in range(nbuf):
                emit_slot(2 + g * nbuf + j, (2 + j) % nbuf)
            return carry
        lax.fori_loop(0, n_steady, body, 0)
        for i in range(2 + nbuf * n_steady, n_chunk - 2):
            emit_slot(i, i % nbuf)

        for i in range(n_chunk - 2, n_chunk):
            b = i % nbuf
            p = b % 2
            g_wait(i, b)
            s_wait(i - 2, p)
            c_start(b, p)
            c_wait((b - 1) % nbuf, (p - 1) % 2)
            s_start(i - 1, (p - 1) % 2)
        b = (n_chunk - 1) % nbuf
        p = b % 2
        c_wait(b, p)
        s_start(n_chunk - 1, p)
        s_wait(n_chunk - 2, (p - 1) % 2)
        s_wait(n_chunk - 1, p)

    return gather_kernel


def kernel(token_ids, table):
    ids_flat = token_ids.reshape(-1).astype(jnp.int32)
    out = _build_gather(ids_flat.shape[0])(ids_flat, table)
    return out.reshape(token_ids.shape + (_EMBED,))

# --- scband reference (transcript-rebuilt; emitter-appended) ---
"""Pipeline reference for scband-text-token-embedding-66718021976478 (READ-ONLY COPY).

The authoritative reference and input builder live on the scoring server;
editing this copy changes nothing except your own understanding.
"""

import jax, jax.numpy as jnp
import numpy as np

VOCAB = 257216
EMBED = 2304

def setup_inputs(seed: int = 0) -> dict:
    key = jax.random.key(seed)
    k1, k2 = jax.random.split(key)
    token_ids = jax.random.randint(k1, (4, 4096), 0, VOCAB, dtype=jnp.int64 if jax.config.jax_enable_x64 else jnp.int32)
    table = jax.random.normal(k2, (VOCAB, EMBED), dtype=jnp.float32)
    # padding_idx=0: row 0 is zeroed (nn.Embedding initializes padding row to zeros)
    table = table.at[0].set(0.0)
    return {"token_ids": token_ids, "table": table}

def reference(token_ids, table):
    # nn.Embedding forward: simple row gather
    return jnp.take(table, token_ids, axis=0)

if __name__ == "__main__":
    import jax
    _d = setup_inputs()
    print(jax.jit(kernel)(*tuple(_d.values())))

</pallas_src>

<mosaic_0001>
#map = affine_map<(d0, d1) -> (0)>
#map1 = affine_map<(d0, d1) -> (0, 0)>
module attributes {stable_mosaic.version = 14 : i64} {
  func.func @gather_kernel(%arg0: i32, %arg1: i32, %arg2: memref<16384xi32, #tpu.memory_space<hbm>>, %arg3: memref<257216x2304xf32, #tpu.memory_space<hbm>>, %arg4: memref<16384x2304xf32, #tpu.memory_space<hbm>>, %arg5: memref<512xi32, #tpu.memory_space<vmem>>, %arg6: memref<16x2x8x2304xf32, #tpu.memory_space<vmem_shared>>, %arg7: memref<8x2304xf32, #tpu.memory_space<vmem>>, %arg8: memref<8x2304xf32, #tpu.memory_space<vmem>>, %arg9: memref<8x2304xf32, #tpu.memory_space<vmem>>, %arg10: memref<8x2304xf32, #tpu.memory_space<vmem>>, %arg11: memref<!tpu.dma_semaphore, #tpu.memory_space<semaphore_mem>>, %arg12: memref<!tpu.dma_semaphore, #tpu.memory_space<semaphore_mem>>, %arg13: memref<!tpu.dma_semaphore, #tpu.memory_space<semaphore_mem>>, %arg14: memref<!tpu.dma_semaphore, #tpu.memory_space<semaphore_mem>>, %arg15: memref<!tpu.dma_semaphore, #tpu.memory_space<semaphore_mem>>, %arg16: memref<!tpu.dma_semaphore, #tpu.memory_space<semaphore_mem>>, %arg17: memref<!tpu.dma_semaphore, #tpu.memory_space<semaphore_mem>>, %arg18: memref<!tpu.dma_semaphore, #tpu.memory_space<semaphore_mem>>, %arg19: memref<!tpu.dma_semaphore, #tpu.memory_space<semaphore_mem>>, %arg20: memref<!tpu.dma_semaphore, #tpu.memory_space<semaphore_mem>>) attributes {dimension_semantics = [#tpu.dimension_semantics<core_parallel>, #tpu.dimension_semantics<subcore_parallel>], iteration_bounds = array<i64: 2, 16>, scalar_prefetch = 0 : i64, scratch_operands = 16 : i64, tpu.core_type = #tpu.core_type<sc_vector_subcore>, window_params = [{transform_indices = #map}, {transform_indices = #map1}, {transform_indices = #map1}]} {
    %mul3A = arith.constant 2 : i32
    %mul3A_0 = arith.muli %arg1, %mul3A : i32
    %add3A = arith.addi %mul3A_0, %arg0 : i32
    %mul3A_1 = arith.constant 512 : i32
    %mul3A_2 = arith.muli %add3A, %mul3A_1 : i32
    "tpu.region"() ({
      %run_scoped3A = tpu.sem_alloc : memref<!tpu.dma_semaphore, #tpu.memory_space<semaphore_mem>>
      %dma_start3A_205 = tpu.memref_slice %arg2[%mul3A_2] : memref<16384xi32, #tpu.memory_space<hbm>> -> memref<512xi32, #tpu.memory_space<hbm>>
      %dma_start3A_206 = tpu.memref_slice %arg2[%mul3A_2] : memref<16384xi32, #tpu.memory_space<hbm>> -> memref<512xi32, #tpu.memory_space<hbm>>
      tpu.enqueue_dma source(%dma_start3A_206 : memref<512xi32, #tpu.memory_space<hbm>>) target(%arg5 : memref<512xi32, #tpu.memory_space<vmem>>) target_semaphore(%run_scoped3A : memref<!tpu.dma_semaphore, #tpu.memory_space<semaphore_mem>>)
      %dma_wait3A_207 = tpu.memref_slice %arg2[%mul3A_2] : memref<16384xi32, #tpu.memory_space<hbm>> -> memref<512xi32, #tpu.memory_space<hbm>>
      %dma_wait3A_208 = tpu.memref_slice %arg2[%mul3A_2] : memref<16384xi32, #tpu.memory_space<hbm>> -> memref<512xi32, #tpu.memory_space<hbm>>
      tpu.wait_dma2 semaphore(%run_scoped3A : memref<!tpu.dma_semaphore, #tpu.memory_space<semaphore_mem>>) src(%dma_wait3A_208 : memref<512xi32, #tpu.memory_space<hbm>>) dst(%arg5 : memref<512xi32, #tpu.memory_space<vmem>>)
      tpu.yield
    }) : () -> ()
    %multiple_of3A = arith.constant 0 : i32
    %multiple_of3A_3 = tpu.assume_multiple %multiple_of3A, 8 : i32
    %dma_start3A = tpu.memref_slice %arg5[%multiple_of3A_3] : memref<512xi32, #tpu.memory_space<vmem>> -> memref<8xi32, #tpu.memory_space<vmem>>
    %dma_start3A_4 = arith.constant 0 : i32
    %dma_start3A_5 = arith.constant 0 : i32
    %dma_start3A_6 = tpu.memref_slice %arg3[%dma_start3A_4, %dma_start3A_5] : memref<257216x2304xf32, #tpu.memory_space<hbm>> -> memref<257216x2304xf32, #tpu.memory_space<hbm>>
    tpu.enqueue_indirect_dma source(%dma_start3A_6 : memref<257216x2304xf32, #tpu.memory_space<hbm>>) target(%arg7 : memref<8x2304xf32, #tpu.memory_space<vmem>>) offsets(%dma_start3A : memref<8xi32, #tpu.memory_space<vmem>>) semaphore(%arg11 : memref<!tpu.dma_semaphore, #tpu.memory_space<semaphore_mem>>)
    %multiple_of3A_7 = arith.constant 8 : i32
    %multiple_of3A_8 = tpu.assume_multiple %multiple_of3A_7, 8 : i32
    %dma_start3A_9 = tpu.memref_slice %arg5[%multiple_of3A_8] : memref<512xi32, #tpu.memory_space<vmem>> -> memref<8xi32, #tpu.memory_space<vmem>>
    %dma_start3A_10 = arith.constant 0 : i32
    %dma_start3A_11 = arith.constant 0 : i32
    %dma_start3A_12 = tpu.memref_slice %arg3[%dma_start3A_10, %dma_start3A_11] : memref<257216x2304xf32, #tpu.memory_space<hbm>> -> memref<257216x2304xf32, #tpu.memory_space<hbm>>
    tpu.enqueue_indirect_dma source(%dma_start3A_12 : memref<257216x2304xf32, #tpu.memory_space<hbm>>) target(%arg8 : memref<8x2304xf32, #tpu.memory_space<vmem>>) offsets(%dma_start3A_9 : memref<8xi32, #tpu.memory_space<vmem>>) semaphore(%arg12 : memref<!tpu.dma_semaphore, #tpu.memory_space<semaphore_mem>>)
    %multiple_of3A_13 = arith.constant 0 : i32
    %multiple_of3A_14 = tpu.assume_multiple %multiple_of3A_13, 8 : i32
    %dma_wait3A = tpu.memref_slice %arg5[%multiple_of3A_14] : memref<512xi32, #tpu.memory_space<vmem>> -> memref<8xi32, #tpu.memory_space<vmem>>
    %dma_wait3A_15 = arith.constant 0 : i32
    %dma_wait3A_16 = arith.constant 0 : i32
    %dma_wait3A_17 = tpu.memref_slice %arg3[%dma_wait3A_15, %dma_wait3A_16] : memref<257216x2304xf32, #tpu.memory_space<hbm>> -> memref<257216x2304xf32, #tpu.memory_space<hbm>>
    tpu.wait_indirect_dma semaphore(%arg11 : memref<!tpu.dma_semaphore, #tpu.memory_space<semaphore_mem>>) src(%dma_wait3A_17 : memref<257216x2304xf32, #tpu.memory_space<hbm>>) dst(%arg7 : memref<8x2304xf32, #tpu.memory_space<vmem>>)
    %dma_start3A_18 = arith.constant 0 : i32
    %dma_start3A_19 = arith.constant 0 : i32
    %dma_start3A_20 = arith.constant 0 : i32
    %dma_start3A_21 = tpu.memref_slice %arg6[%arg1, %dma_start3A_18, %dma_start3A_19, %dma_start3A_20] : memref<16x2x8x2304xf32, #tpu.memory_space<vmem_shared>> -> memref<1x1x8x2304xf32, #tpu.memory_space<vmem_shared>>
    %dma_start3A_22 = tpu.memref_squeeze %dma_start3A_21 : memref<1x1x8x2304xf32, #tpu.memory_space<vmem_shared>> -> memref<8x2304xf32, #tpu.memory_space<vmem_shared>>
    %dma_start3A_23 = arith.constant 0 : i32
    %dma_start3A_24 = arith.constant 0 : i32
    %dma_start3A_25 = tpu.memref_slice %arg6[%arg1, %dma_start3A_18, %dma_start3A_23, %dma_start3A_24] : memref<16x2x8x2304xf32, #tpu.memory_space<vmem_shared>> -> memref<1x1x8x2304xf32, #tpu.memory_space<vmem_shared>>
    %dma_start3A_26 = tpu.memref_squeeze %dma_start3A_25 : memref<1x1x8x2304xf32, #tpu.memory_space<vmem_shared>> -> memref<8x2304xf32, #tpu.memory_space<vmem_shared>>
    tpu.enqueue_dma source(%arg7 : memref<8x2304xf32, #tpu.memory_space<vmem>>) target(%dma_start3A_26 : memref<8x2304xf32, #tpu.memory_space<vmem_shared>>) target_semaphore(%arg15 : memref<!tpu.dma_semaphore, #tpu.memory_space<semaphore_mem>>)
    %multiple_of3A_27 = arith.constant 16 : i32
    %multiple_of3A_28 = tpu.assume_multiple %multiple_of3A_27, 8 : i32
    %dma_start3A_29 = tpu.memref_slice %arg5[%multiple_of3A_28] : memref<512xi32, #tpu.memory_space<vmem>> -> memref<8xi32, #tpu.memory_space<vmem>>
    %dma_start3A_30 = arith.constant 0 : i32
    %dma_start3A_31 = arith.constant 0 : i32
    %dma_start3A_32 = tpu.memref_slice %arg3[%dma_start3A_30, %dma_start3A_31] : memref<257216x2304xf32, #tpu.memory_space<hbm>> -> memref<257216x2304xf32, #tpu.memory_space<hbm>>
    tpu.enqueue_indirect_dma source(%dma_start3A_32 : memref<257216x2304xf32, #tpu.memory_space<hbm>>) target(%arg9 : memref<8x2304xf32, #tpu.memory_space<vmem>>) offsets(%dma_start3A_29 : memref<8xi32, #tpu.memory_space<vmem>>) semaphore(%arg13 : memref<!tpu.dma_semaphore, #tpu.memory_space<semaphore_mem>>)
    %multiple_of3A_33 = arith.constant 8 : i32
    %multiple_of3A_34 = tpu.assume_multiple %multiple_of3A_33, 8 : i32
    %dma_wait3A_35 = tpu.memref_slice %arg5[%multiple_of3A_34] : memref<512xi32, #tpu.memory_space<vmem>> -> memref<8xi32, #tpu.memory_space<vmem>>
    %dma_wait3A_36 = arith.constant 0 : i32
    %dma_wait3A_37 = arith.constant 0 : i32
    %dma_wait3A_38 = tpu.memref_slice %arg3[%dma_wait3A_36, %dma_wait3A_37] : memref<257216x2304xf32, #tpu.memory_space<hbm>> -> memref<257216x2304xf32, #tpu.memory_space<hbm>>
    tpu.wait_indirect_dma semaphore(%arg12 : memref<!tpu.dma_semaphore, #tpu.memory_space<semaphore_mem>>) src(%dma_wait3A_38 : memref<257216x2304xf32, #tpu.memory_space<hbm>>) dst(%arg8 : memref<8x2304xf32, #tpu.memory_space<vmem>>)
    %dma_start3A_39 = arith.constant 1 : i32
    %dma_start3A_40 = arith.constant 0 : i32
    %dma_start3A_41 = arith.constant 0 : i32
    %dma_start3A_42 = tpu.memref_slice %arg6[%arg1, %dma_start3A_39, %dma_start3A_40, %dma_start3A_41] : memref<16x2x8x2304xf32, #tpu.memory_space<vmem_shared>> -> memref<1x1x8x2304xf32, #tpu.memory_space<vmem_shared>>
    %dma_start3A_43 = tpu.memref_squeeze %dma_start3A_42 : memref<1x1x8x2304xf32, #tpu.memory_space<vmem_shared>> -> memref<8x2304xf32, #tpu.memory_space<vmem_shared>>
    %dma_start3A_44 = arith.constant 0 : i32
    %dma_start3A_45 = arith.constant 0 : i32
    %dma_start3A_46 = tpu.memref_slice %arg6[%arg1, %dma_start3A_39, %dma_start3A_44, %dma_start3A_45] : memref<16x2x8x2304xf32, #tpu.memory_space<vmem_shared>> -> memref<1x1x8x2304xf32, #tpu.memory_space<vmem_shared>>
    %dma_start3A_47 = tpu.memref_squeeze %dma_start3A_46 : memref<1x1x8x2304xf32, #tpu.memory_space<vmem_shared>> -> memref<8x2304xf32, #tpu.memory_space<vmem_shared>>
    tpu.enqueue_dma source(%arg8 : memref<8x2304xf32, #tpu.memory_space<vmem>>) target(%dma_start3A_47 : memref<8x2304xf32, #tpu.memory_space<vmem_shared>>) target_semaphore(%arg16 : memref<!tpu.dma_semaphore, #tpu.memory_space<semaphore_mem>>)
    %dma_wait3A_48 = arith.constant 0 : i32
    %dma_wait3A_49 = arith.constant 0 : i32
    %dma_wait3A_50 = arith.constant 0 : i32
    %dma_wait3A_51 = tpu.memref_slice %arg6[%arg1, %dma_wait3A_48, %dma_wait3A_49, %dma_wait3A_50] : memref<16x2x8x2304xf32, #tpu.memory_space<vmem_shared>> -> memref<1x1x8x2304xf32, #tpu.memory_space<vmem_shared>>
    %dma_wait3A_52 = tpu.memref_squeeze %dma_wait3A_51 : memref<1x1x8x2304xf32, #tpu.memory_space<vmem_shared>> -> memref<8x2304xf32, #tpu.memory_space<vmem_shared>>
    %dma_wait3A_53 = arith.constant 0 : i32
    %dma_wait3A_54 = arith.constant 0 : i32
    %dma_wait3A_55 = tpu.memref_slice %arg6[%arg1, %dma_wait3A_48, %dma_wait3A_53, %dma_wait3A_54] : memref<16x2x8x2304xf32, #tpu.memory_space<vmem_shared>> -> memref<1x1x8x2304xf32, #tpu.memory_space<vmem_shared>>
    %dma_wait3A_56 = tpu.memref_squeeze %dma_wait3A_55 : memref<1x1x8x2304xf32, #tpu.memory_space<vmem_shared>> -> memref<8x2304xf32, #tpu.memory_space<vmem_shared>>
    tpu.wait_dma2 semaphore(%arg15 : memref<!tpu.dma_semaphore, #tpu.memory_space<semaphore_mem>>) src(%arg7 : memref<8x2304xf32, #tpu.memory_space<vmem>>) dst(%dma_wait3A_56 : memref<8x2304xf32, #tpu.memory_space<vmem_shared>>)
    %multiple_of3A_57 = arith.constant 0 : i32
    %multiple_of3A_58 = tpu.assume_multiple %multiple_of3A_57, 8 : i32
    %add3A_59 = arith.addi %mul3A_2, %multiple_of3A_58 : i32
    %dma_start3A_60 = arith.constant 0 : i32
    %dma_start3A_61 = arith.constant 0 : i32
    %dma_start3A_62 = tpu.memref_slice %arg4[%add3A_59, %dma_start3A_61] : memref<16384x2304xf32, #tpu.memory_space<hbm>> -> memref<8x2304xf32, #tpu.memory_space<hbm>>
    %dma_start3A_63 = arith.constant 0 : i32
    %dma_start3A_64 = arith.constant 0 : i32
    %dma_start3A_65 = tpu.memref_slice %arg6[%arg1, %dma_start3A_60, %dma_start3A_63, %dma_start3A_64] : memref<16x2x8x2304xf32, #tpu.memory_space<vmem_shared>> -> memref<1x1x8x2304xf32, #tpu.memory_space<vmem_shared>>
    %dma_start3A_66 = tpu.memref_squeeze %dma_start3A_65 : memref<1x1x8x2304xf32, #tpu.memory_space<vmem_shared>> -> memref<8x2304xf32, #tpu.memory_space<vmem_shared>>
    tpu.enqueue_dma source(%dma_start3A_66 : memref<8x2304xf32, #tpu.memory_space<vmem_shared>>) target(%dma_start3A_62 : memref<8x2304xf32, #tpu.memory_space<hbm>>) target_semaphore(%arg19 : memref<!tpu.dma_semaphore, #tpu.memory_space<semaphore_mem>>)
    %multiple_of3A_67 = arith.constant 24 : i32
    %multiple_of3A_68 = tpu.assume_multiple %multiple_of3A_67, 8 : i32
    %dma_start3A_69 = tpu.memref_slice %arg5[%multiple_of3A_68] : memref<512xi32, #tpu.memory_space<vmem>> -> memref<8xi32, #tpu.memory_space<vmem>>
    %dma_start3A_70 = arith.constant 0 : i32
    %dma_start3A_71 = arith.constant 0 : i32
    %dma_start3A_72 = tpu.memref_slice %arg3[%dma_start3A_70, %dma_start3A_71] : memref<257216x2304xf32, #tpu.memory_space<hbm>> -> memref<257216x2304xf32, #tpu.memory_space<hbm>>
    tpu.enqueue_indirect_dma source(%dma_start3A_72 : memref<257216x2304xf32, #tpu.memory_space<hbm>>) target(%arg10 : memref<8x2304xf32, #tpu.memory_space<vmem>>) offsets(%dma_start3A_69 : memref<8xi32, #tpu.memory_space<vmem>>) semaphore(%arg14 : memref<!tpu.dma_semaphore, #tpu.memory_space<semaphore_mem>>)
    %scan3A = arith.constant 0 : i32
    %scan3A_73 = arith.constant 0 : i32
    %scan3A_74 = arith.constant 15 : i32
    %scan3A_75 = arith.addi %scan3A_73, %scan3A_74 : i32
    %scan3A_76 = arith.constant 1 : i32
    scf.for %scan3A_205 = %scan3A_73 to %scan3A_75 step %scan3A_76  : i32 {
      %mul3A_206 = arith.constant 4 : i32
      %mul3A_207 = arith.muli %scan3A_205, %mul3A_206 : i32
      %add3A_208 = arith.constant 2 : i32
      %add3A_209 = arith.addi %add3A_208, %mul3A_207 : i32
      %add3A_210 = arith.constant 0 : i32
      %add3A_211 = arith.addi %add3A_209, %add3A_210 : i32
      %mul3A_212 = arith.constant 8 : i32
      %mul3A_213 = arith.muli %add3A_211, %mul3A_212 : i32
      %multiple_of3A_214 = tpu.assume_multiple %mul3A_213, 8 : i32
      %dma_wait3A_215 = tpu.memref_slice %arg5[%multiple_of3A_214] : memref<512xi32, #tpu.memory_space<vmem>> -> memref<8xi32, #tpu.memory_space<vmem>>
      %dma_wait3A_216 = arith.constant 0 : i32
      %dma_wait3A_217 = arith.constant 0 : i32
      %dma_wait3A_218 = tpu.memref_slice %arg3[%dma_wait3A_216, %dma_wait3A_217] : memref<257216x2304xf32, #tpu.memory_space<hbm>> -> memref<257216x2304xf32, #tpu.memory_space<hbm>>
      tpu.wait_indirect_dma semaphore(%arg13 : memref<!tpu.dma_semaphore, #tpu.memory_space<semaphore_mem>>) src(%dma_wait3A_218 : memref<257216x2304xf32, #tpu.memory_space<hbm>>) dst(%arg9 : memref<8x2304xf32, #tpu.memory_space<vmem>>)
      %sub3A = arith.constant 2 : i32
      %sub3A_219 = arith.subi %add3A_211, %sub3A : i32
      %mul3A_220 = arith.constant 8 : i32
      %mul3A_221 = arith.muli %sub3A_219, %mul3A_220 : i32
      %multiple_of3A_222 = tpu.assume_multiple %mul3A_221, 8 : i32
      %add3A_223 = arith.addi %mul3A_2, %multiple_of3A_222 : i32
      %dma_wait3A_224 = arith.constant 0 : i32
      %dma_wait3A_225 = arith.constant 0 : i32
      %dma_wait3A_226 = tpu.memref_slice %arg4[%add3A_223, %dma_wait3A_225] : memref<16384x2304xf32, #tpu.memory_space<hbm>> -> memref<8x2304xf32, #tpu.memory_space<hbm>>
      %dma_wait3A_227 = arith.constant 0 : i32
      %dma_wait3A_228 = arith.constant 0 : i32
      %dma_wait3A_229 = tpu.memref_slice %arg6[%arg1, %dma_wait3A_224, %dma_wait3A_227, %dma_wait3A_228] : memref<16x2x8x2304xf32, #tpu.memory_space<vmem_shared>> -> memref<1x1x8x2304xf32, #tpu.memory_space<vmem_shared>>
      %dma_wait3A_230 = tpu.memref_squeeze %dma_wait3A_229 : memref<1x1x8x2304xf32, #tpu.memory_space<vmem_shared>> -> memref<8x2304xf32, #tpu.memory_space<vmem_shared>>
      tpu.wait_dma2 semaphore(%arg19 : memref<!tpu.dma_semaphore, #tpu.memory_space<semaphore_mem>>) src(%dma_wait3A_230 : memref<8x2304xf32, #tpu.memory_space<vmem_shared>>) dst(%dma_wait3A_226 : memref<8x2304xf32, #tpu.memory_space<hbm>>)
      %dma_start3A_231 = arith.constant 0 : i32
      %dma_start3A_232 = arith.constant 0 : i32
      %dma_start3A_233 = arith.constant 0 : i32
      %dma_start3A_234 = tpu.memref_slice %arg6[%arg1, %dma_start3A_231, %dma_start3A_232, %dma_start3A_233] : memref<16x2x8x2304xf32, #tpu.memory_space<vmem_shared>> -> memref<1x1x8x2304xf32, #tpu.memory_space<vmem_shared>>
      %dma_start3A_235 = tpu.memref_squeeze %dma_start3A_234 : memref<1x1x8x2304xf32, #tpu.memory_space<vmem_shared>> -> memref<8x2304xf32, #tpu.memory_space<vmem_shared>>
      %dma_start3A_236 = arith.constant 0 : i32
      %dma_start3A_237 = arith.constant 0 : i32
      %dma_start3A_238 = tpu.memref_slice %arg6[%arg1, %dma_start3A_231, %dma_start3A_236, %dma_start3A_237] : memref<16x2x8x2304xf32, #tpu.memory_space<vmem_shared>> -> memref<1x1x8x2304xf32, #tpu.memory_space<vmem_shared>>
      %dma_start3A_239 = tpu.memref_squeeze %dma_start3A_238 : memref<1x1x8x2304xf32, #tpu.memory_space<vmem_shared>> -> memref<8x2304xf32, #tpu.memory_space<vmem_shared>>
      tpu.enqueue_dma source(%arg9 : memref<8x2304xf32, #tpu.memory_space<vmem>>) target(%dma_start3A_239 : memref<8x2304xf32, #tpu.memory_space<vmem_shared>>) target_semaphore(%arg17 : memref<!tpu.dma_semaphore, #tpu.memory_space<semaphore_mem>>)
      %dma_wait3A_240 = arith.constant 1 : i32
      %dma_wait3A_241 = arith.constant 0 : i32
      %dma_wait3A_242 = arith.constant 0 : i32
      %dma_wait3A_243 = tpu.memref_slice %arg6[%arg1, %dma_wait3A_240, %dma_wait3A_241, %dma_wait3A_242] : memref<16x2x8x2304xf32, #tpu.memory_space<vmem_shared>> -> memref<1x1x8x2304xf32, #tpu.memory_space<vmem_shared>>
      %dma_wait3A_244 = tpu.memref_squeeze %dma_wait3A_243 : memref<1x1x8x2304xf32, #tpu.memory_space<vmem_shared>> -> memref<8x2304xf32, #tpu.memory_space<vmem_shared>>
      %dma_wait3A_245 = arith.constant 0 : i32
      %dma_wait3A_246 = arith.constant 0 : i32
      %dma_wait3A_247 = tpu.memref_slice %arg6[%arg1, %dma_wait3A_240, %dma_wait3A_245, %dma_wait3A_246] : memref<16x2x8x2304xf32, #tpu.memory_space<vmem_shared>> -> memref<1x1x8x2304xf32, #tpu.memory_space<vmem_shared>>
      %dma_wait3A_248 = tpu.memref_squeeze %dma_wait3A_247 : memref<1x1x8x2304xf32, #tpu.memory_space<vmem_shared>> -> memref<8x2304xf32, #tpu.memory_space<vmem_shared>>
      tpu.wait_dma2 semaphore(%arg16 : memref<!tpu.dma_semaphore, #tpu.memory_space<semaphore_mem>>) src(%arg8 : memref<8x2304xf32, #tpu.memory_space<vmem>>) dst(%dma_wait3A_248 : memref<8x2304xf32, #tpu.memory_space<vmem_shared>>)
      %sub3A_249 = arith.constant 1 : i32
      %sub3A_250 = arith.subi %add3A_211, %sub3A_249 : i32
      %mul3A_251 = arith.constant 8 : i32
      %mul3A_252 = arith.muli %sub3A_250, %mul3A_251 : i32
      %multiple_of3A_253 = tpu.assume_multiple %mul3A_252, 8 : i32
      %add3A_254 = arith.addi %mul3A_2, %multiple_of3A_253 : i32
      %dma_start3A_255 = arith.constant 1 : i32
      %dma_start3A_256 = arith.constant 0 : i32
      %dma_start3A_257 = tpu.memref_slice %arg4[%add3A_254, %dma_start3A_256] : memref<16384x2304xf32, #tpu.memory_space<hbm>> -> memref<8x2304xf32, #tpu.memory_space<hbm>>
      %dma_start3A_258 = arith.constant 0 : i32
      %dma_start3A_259 = arith.constant 0 : i32
      %dma_start3A_260 = tpu.memref_slice %arg6[%arg1, %dma_start3A_255, %dma_start3A_258, %dma_start3A_259] : memref<16x2x8x2304xf32, #tpu.memory_space<vmem_shared>> -> memref<1x1x8x2304xf32, #tpu.memory_space<vmem_shared>>
      %dma_start3A_261 = tpu.memref_squeeze %dma_start3A_260 : memref<1x1x8x2304xf32, #tpu.memory_space<vmem_shared>> -> memref<8x2304xf32, #tpu.memory_space<vmem_shared>>
      tpu.enqueue_dma source(%dma_start3A_261 : memref<8x2304xf32, #tpu.memory_space<vmem_shared>>) target(%dma_start3A_257 : memref<8x2304xf32, #tpu.memory_space<hbm>>) target_semaphore(%arg20 : memref<!tpu.dma_semaphore, #tpu.memory_space<semaphore_mem>>)
      %add3A_262 = arith.constant 2 : i32
      %add3A_263 = arith.addi %add3A_211, %add3A_262 : i32
      %mul3A_264 = arith.constant 8 : i32
      %mul3A_265 = arith.muli %add3A_263, %mul3A_264 : i32
      %multiple_of3A_266 = tpu.assume_multiple %mul3A_265, 8 : i32
      %dma_start3A_267 = tpu.memref_slice %arg5[%multiple_of3A_266] : memref<512xi32, #tpu.memory_space<vmem>> -> memref<8xi32, #tpu.memory_space<vmem>>
      %dma_start3A_268 = arith.constant 0 : i32
      %dma_start3A_269 = arith.constant 0 : i32
      %dma_start3A_270 = tpu.memref_slice %arg3[%dma_start3A_268, %dma_start3A_269] : memref<257216x2304xf32, #tpu.memory_space<hbm>> -> memref<257216x2304xf32, #tpu.memory_space<hbm>>
      tpu.enqueue_indirect_dma source(%dma_start3A_270 : memref<257216x2304xf32, #tpu.memory_space<hbm>>) target(%arg7 : memref<8x2304xf32, #tpu.memory_space<vmem>>) offsets(%dma_start3A_267 : memref<8xi32, #tpu.memory_space<vmem>>) semaphore(%arg11 : memref<!tpu.dma_semaphore, #tpu.memory_space<semaphore_mem>>)
      %mul3A_271 = arith.constant 4 : i32
      %mul3A_272 = arith.muli %scan3A_205, %mul3A_271 : i32
      %add3A_273 = arith.constant 2 : i32
      %add3A_274 = arith.addi %add3A_273, %mul3A_272 : i32
      %add3A_275 = arith.constant 1 : i32
      %add3A_276 = arith.addi %add3A_274, %add3A_275 : i32
      %mul3A_277 = arith.constant 8 : i32
      %mul3A_278 = arith.muli %add3A_276, %mul3A_277 : i32
      %multiple_of3A_279 = tpu.assume_multiple %mul3A_278, 8 : i32
      %dma_wait3A_280 = tpu.memref_slice %arg5[%multiple_of3A_279] : memref<512xi32, #tpu.memory_space<vmem>> -> memref<8xi32, #tpu.memory_space<vmem>>
      %dma_wait3A_281 = arith.constant 0 : i32
      %dma_wait3A_282 = arith.constant 0 : i32
      %dma_wait3A_283 = tpu.memref_slice %arg3[%dma_wait3A_281, %dma_wait3A_282] : memref<257216x2304xf32, #tpu.memory_space<hbm>> -> memref<257216x2304xf32, #tpu.memory_space<hbm>>
      tpu.wait_indirect_dma semaphore(%arg14 : memref<!tpu.dma_semaphore, #tpu.memory_space<semaphore_mem>>) src(%dma_wait3A_283 : memref<257216x2304xf32, #tpu.memory_space<hbm>>) dst(%arg10 : memref<8x2304xf32, #tpu.memory_space<vmem>>)
      %sub3A_284 = arith.constant 2 : i32
      %sub3A_285 = arith.subi %add3A_276, %sub3A_284 : i32
      %mul3A_286 = arith.constant 8 : i32
      %mul3A_287 = arith.muli %sub3A_285, %mul3A_286 : i32
      %multiple_of3A_288 = tpu.assume_multiple %mul3A_287, 8 : i32
      %add3A_289 = arith.addi %mul3A_2, %multiple_of3A_288 : i32
      %dma_wait3A_290 = arith.constant 1 : i32
      %dma_wait3A_291 = arith.constant 0 : i32
      %dma_wait3A_292 = tpu.memref_slice %arg4[%add3A_289, %dma_wait3A_291] : memref<16384x2304xf32, #tpu.memory_space<hbm>> -> memref<8x2304xf32, #tpu.memory_space<hbm>>
      %dma_wait3A_293 = arith.constant 0 : i32
      %dma_wait3A_294 = arith.constant 0 : i32
      %dma_wait3A_295 = tpu.memref_slice %arg6[%arg1, %dma_wait3A_290, %dma_wait3A_293, %dma_wait3A_294] : memref<16x2x8x2304xf32, #tpu.memory_space<vmem_shared>> -> memref<1x1x8x2304xf32, #tpu.memory_space<vmem_shared>>
      %dma_wait3A_296 = tpu.memref_squeeze %dma_wait3A_295 : memref<1x1x8x2304xf32, #tpu.memory_space<vmem_shared>> -> memref<8x2304xf32, #tpu.memory_space<vmem_shared>>
      tpu.wait_dma2 semaphore(%arg20 : memref<!tpu.dma_semaphore, #tpu.memory_space<semaphore_mem>>) src(%dma_wait3A_296 : memref<8x2304xf32, #tpu.memory_space<vmem_shared>>) dst(%dma_wait3A_292 : memref<8x2304xf32, #tpu.memory_space<hbm>>)
      %dma_start3A_297 = arith.constant 1 : i32
      %dma_start3A_298 = arith.constant 0 : i32
      %dma_start3A_299 = arith.constant 0 : i32
      %dma_start3A_300 = tpu.memref_slice %arg6[%arg1, %dma_start3A_297, %dma_start3A_298, %dma_start3A_299] : memref<16x2x8x2304xf32, #tpu.memory_space<vmem_shared>> -> memref<1x1x8x2304xf32, #tpu.memory_space<vmem_shared>>
      %dma_start3A_301 = tpu.memref_squeeze %dma_start3A_300 : memref<1x1x8x2304xf32, #tpu.memory_space<vmem_shared>> -> memref<8x2304xf32, #tpu.memory_space<vmem_shared>>
      %dma_start3A_302 = arith.constant 0 : i32
      %dma_start3A_303 = arith.constant 0 : i32
      %dma_start3A_304 = tpu.memref_slice %arg6[%arg1, %dma_start3A_297, %dma_start3A_302, %dma_start3A_303] : memref<16x2x8x2304xf32, #tpu.memory_space<vmem_shared>> -> memref<1x1x8x2304xf32, #tpu.memory_space<vmem_shared>>
      %dma_start3A_305 = tpu.memref_squeeze %dma_start3A_304 : memref<1x1x8x2304xf32, #tpu.memory_space<vmem_shared>> -> memref<8x2304xf32, #tpu.memory_space<vmem_shared>>
      tpu.enqueue_dma source(%arg10 : memref<8x2304xf32, #tpu.memory_space<vmem>>) target(%dma_start3A_305 : memref<8x2304xf32, #tpu.memory_space<vmem_shared>>) target_semaphore(%arg18 : memref<!tpu.dma_semaphore, #tpu.memory_space<semaphore_mem>>)
      %dma_wait3A_306 = arith.constant 0 : i32
      %dma_wait3A_307 = arith.constant 0 : i32
      %dma_wait3A_308 = arith.constant 0 : i32
      %dma_wait3A_309 = tpu.memref_slice %arg6[%arg1, %dma_wait3A_306, %dma_wait3A_307, %dma_wait3A_308] : memref<16x2x8x2304xf32, #tpu.memory_space<vmem_shared>> -> memref<1x1x8x2304xf32, #tpu.memory_space<vmem_shared>>
      %dma_wait3A_310 = tpu.memref_squeeze %dma_wait3A_309 : memref<1x1x8x2304xf32, #tpu.memory_space<vmem_shared>> -> memref<8x2304xf32, #tpu.memory_space<vmem_shared>>
      %dma_wait3A_311 = arith.constant 0 : i32
      %dma_wait3A_312 = arith.constant 0 : i32
      %dma_wait3A_313 = tpu.memref_slice %arg6[%arg1, %dma_wait3A_306, %dma_wait3A_311, %dma_wait3A_312] : memref<16x2x8x2304xf32, #tpu.memory_space<vmem_shared>> -> memref<1x1x8x2304xf32, #tpu.memory_space<vmem_shared>>
      %dma_wait3A_314 = tpu.memref_squeeze %dma_wait3A_313 : memref<1x1x8x2304xf32, #tpu.memory_space<vmem_shared>> -> memref<8x2304xf32, #tpu.memory_space<vmem_shared>>
      tpu.wait_dma2 semaphore(%arg17 : memref<!tpu.dma_semaphore, #tpu.memory_space<semaphore_mem>>) src(%arg9 : memref<8x2304xf32, #tpu.memory_space<vmem>>) dst(%dma_wait3A_314 : memref<8x2304xf32, #tpu.memory_space<vmem_shared>>)
      %sub3A_315 = arith.constant 1 : i32
      %sub3A_316 = arith.subi %add3A_276, %sub3A_315 : i32
      %mul3A_317 = arith.constant 8 : i32
      %mul3A_318 = arith.muli %sub3A_316, %mul3A_317 : i32
      %multiple_of3A_319 = tpu.assume_multiple %mul3A_318, 8 : i32
      %add3A_320 = arith.addi %mul3A_2, %multiple_of3A_319 : i32
      %dma_start3A_321 = arith.constant 0 : i32
      %dma_start3A_322 = arith.constant 0 : i32
      %dma_start3A_323 = tpu.memref_slice %arg4[%add3A_320, %dma_start3A_322] : memref<16384x2304xf32, #tpu.memory_space<hbm>> -> memref<8x2304xf32, #tpu.memory_space<hbm>>
      %dma_start3A_324 = arith.constant 0 : i32
      %dma_start3A_325 = arith.constant 0 : i32
      %dma_start3A_326 = tpu.memref_slice %arg6[%arg1, %dma_start3A_321, %dma_start3A_324, %dma_start3A_325] : memref<16x2x8x2304xf32, #tpu.memory_space<vmem_shared>> -> memref<1x1x8x2304xf32, #tpu.memory_space<vmem_shared>>
      %dma_start3A_327 = tpu.memref_squeeze %dma_start3A_326 : memref<1x1x8x2304xf32, #tpu.memory_space<vmem_shared>> -> memref<8x2304xf32, #tpu.memory_space<vmem_shared>>
      tpu.enqueue_dma source(%dma_start3A_327 : memref<8x2304xf32, #tpu.memory_space<vmem_shared>>) target(%dma_start3A_323 : memref<8x2304xf32, #tpu.memory_space<hbm>>) target_semaphore(%arg19 : memref<!tpu.dma_semaphore, #tpu.memory_space<semaphore_mem>>)
      %add3A_328 = arith.constant 2 : i32
      %add3A_329 = arith.addi %add3A_276, %add3A_328 : i32
      %mul3A_330 = arith.constant 8 : i32
      %mul3A_331 = arith.muli %add3A_329, %mul3A_330 : i32
      %multiple_of3A_332 = tpu.assume_multiple %mul3A_331, 8 : i32
      %dma_start3A_333 = tpu.memref_slice %arg5[%multiple_of3A_332] : memref<512xi32, #tpu.memory_space<vmem>> -> memref<8xi32, #tpu.memory_space<vmem>>
      %dma_start3A_334 = arith.constant 0 : i32
      %dma_start3A_335 = arith.constant 0 : i32
      %dma_start3A_336 = tpu.memref_slice %arg3[%dma_start3A_334, %dma_start3A_335] : memref<257216x2304xf32, #tpu.memory_space<hbm>> -> memref<257216x2304xf32, #tpu.memory_space<hbm>>
      tpu.enqueue_indirect_dma source(%dma_start3A_336 : memref<257216x2304xf32, #tpu.memory_space<hbm>>) target(%arg8 : memref<8x2304xf32, #tpu.memory_space<vmem>>) offsets(%dma_start3A_333 : memref<8xi32, #tpu.memory_space<vmem>>) semaphore(%arg12 : memref<!tpu.dma_semaphore, #tpu.memory_space<semaphore_mem>>)
      %mul3A_337 = arith.constant 4 : i32
      %mul3A_338 = arith.muli %scan3A_205, %mul3A_337 : i32
      %add3A_339 = arith.constant 2 : i32
      %add3A_340 = arith.addi %add3A_339, %mul3A_338 : i32
      %add3A_341 = arith.constant 2 : i32
      %add3A_342 = arith.addi %add3A_340, %add3A_341 : i32
      %mul3A_343 = arith.constant 8 : i32
      %mul3A_344 = arith.muli %add3A_342, %mul3A_343 : i32
      %multiple_of3A_345 = tpu.assume_multiple %mul3A_344, 8 : i32
      %dma_wait3A_346 = tpu.memref_slice %arg5[%multiple_of3A_345] : memref<512xi32, #tpu.memory_space<vmem>> -> memref<8xi32, #tpu.memory_space<vmem>>
      %dma_wait3A_347 = arith.constant 0 : i32
      %dma_wait3A_348 = arith.constant 0 : i32
      %dma_wait3A_349 = tpu.memref_slice %arg3[%dma_wait3A_347, %dma_wait3A_348] : memref<257216x2304xf32, #tpu.memory_space<hbm>> -> memref<257216x2304xf32, #tpu.memory_space<hbm>>
      tpu.wait_indirect_dma semaphore(%arg11 : memref<!tpu.dma_semaphore, #tpu.memory_space<semaphore_mem>>) src(%dma_wait3A_349 : memref<257216x2304xf32, #tpu.memory_space<hbm>>) dst(%arg7 : memref<8x2304xf32, #tpu.memory_space<vmem>>)
      %sub3A_350 = arith.constant 2 : i32
      %sub3A_351 = arith.subi %add3A_342, %sub3A_350 : i32
      %mul3A_352 = arith.constant 8 : i32
      %mul3A_353 = arith.muli %sub3A_351, %mul3A_352 : i32
      %multiple_of3A_354 = tpu.assume_multiple %mul3A_353, 8 : i32
      %add3A_355 = arith.addi %mul3A_2, %multiple_of3A_354 : i32
      %dma_wait3A_356 = arith.constant 0 : i32
      %dma_wait3A_357 = arith.constant 0 : i32
      %dma_wait3A_358 = tpu.memref_slice %arg4[%add3A_355, %dma_wait3A_357] : memref<16384x2304xf32, #tpu.memory_space<hbm>> -> memref<8x2304xf32, #tpu.memory_space<hbm>>
      %dma_wait3A_359 = arith.constant 0 : i32
      %dma_wait3A_360 = arith.constant 0 : i32
      %dma_wait3A_361 = tpu.memref_slice %arg6[%arg1, %dma_wait3A_356, %dma_wait3A_359, %dma_wait3A_360] : memref<16x2x8x2304xf32, #tpu.memory_space<vmem_shared>> -> memref<1x1x8x2304xf32, #tpu.memory_space<vmem_shared>>
      %dma_wait3A_362 = tpu.memref_squeeze %dma_wait3A_361 : memref<1x1x8x2304xf32, #tpu.memory_space<vmem_shared>> -> memref<8x2304xf32, #tpu.memory_space<vmem_shared>>
      tpu.wait_dma2 semaphore(%arg19 : memref<!tpu.dma_semaphore, #tpu.memory_space<semaphore_mem>>) src(%dma_wait3A_362 : memref<8x2304xf32, #tpu.memory_space<vmem_shared>>) dst(%dma_wait3A_358 : memref<8x2304xf32, #tpu.memory_space<hbm>>)
      %dma_start3A_363 = arith.constant 0 : i32
      %dma_start3A_364 = arith.constant 0 : i32
      %dma_start3A_365 = arith.constant 0 : i32
      %dma_start3A_366 = tpu.memref_slice %arg6[%arg1, %dma_start3A_363, %dma_start3A_364, %dma_start3A_365] : memref<16x2x8x2304xf32, #tpu.memory_space<vmem_shared>> -> memref<1x1x8x2304xf32, #tpu.memory_space<vmem_shared>>
      %dma_start3A_367 = tpu.memref_squeeze %dma_start3A_366 : memref<1x1x8x2304xf32, #tpu.memory_space<vmem_shared>> -> memref<8x2304xf32, #tpu.memory_space<vmem_shared>>
      %dma_start3A_368 = arith.constant 0 : i32
      %dma_start3A_369 = arith.constant 0 : i32
      %dma_start3A_370 = tpu.memref_slice %arg6[%arg1, %dma_start3A_363, %dma_start3A_368, %dma_start3A_369] : memref<16x2x8x2304xf32, #tpu.memory_space<vmem_shared>> -> memref<1x1x8x2304xf32, #tpu.memory_space<vmem_shared>>
      %dma_start3A_371 = tpu.memref_squeeze %dma_start3A_370 : memref<1x1x8x2304xf32, #tpu.memory_space<vmem_shared>> -> memref<8x2304xf32, #tpu.memory_space<vmem_shared>>
      tpu.enqueue_dma source(%arg7 : memref<8x2304xf32, #tpu.memory_space<vmem>>) target(%dma_start3A_371 : memref<8x2304xf32, #tpu.memory_space<vmem_shared>>) target_semaphore(%arg15 : memref<!tpu.dma_semaphore, #tpu.memory_space<semaphore_mem>>)
      %dma_wait3A_372 = arith.constant 1 : i32
      %dma_wait3A_373 = arith.constant 0 : i32
      %dma_wait3A_374 = arith.constant 0 : i32
      %dma_wait3A_375 = tpu.memref_slice %arg6[%arg1, %dma_wait3A_372, %dma_wait3A_373, %dma_wait3A_374] : memref<16x2x8x2304xf32, #tpu.memory_space<vmem_shared>> -> memref<1x1x8x2304xf32, #tpu.memory_space<vmem_shared>>
      %dma_wait3A_376 = tpu.memref_squeeze %dma_wait3A_375 : memref<1x1x8x2304xf32, #tpu.memory_space<vmem_shared>> -> memref<8x2304xf32, #tpu.memory_space<vmem_shared>>
      %dma_wait3A_377 = arith.constant 0 : i32
      %dma_wait3A_378 = arith.constant 0 : i32
      %dma_wait3A_379 = tpu.memref_slice %arg6[%arg1, %dma_wait3A_372, %dma_wait3A_377, %dma_wait3A_378] : memref<16x2x8x2304xf32, #tpu.memory_space<vmem_shared>> -> memref<1x1x8x2304xf32, #tpu.memory_space<vmem_shared>>
      %dma_wait3A_380 = tpu.memref_squeeze %dma_wait3A_379 : memref<1x1x8x2304xf32, #tpu.memory_space<vmem_shared>> -> memref<8x2304xf32, #tpu.memory_space<vmem_shared>>
      tpu.wait_dma2 semaphore(%arg18 : memref<!tpu.dma_semaphore, #tpu.memory_space<semaphore_mem>>) src(%arg10 : memref<8x2304xf32, #tpu.memory_space<vmem>>) dst(%dma_wait3A_380 : memref<8x2304xf32, #tpu.memory_space<vmem_shared>>)
      %sub3A_381 = arith.constant 1 : i32
      %sub3A_382 = arith.subi %add3A_342, %sub3A_381 : i32
      %mul3A_383 = arith.constant 8 : i32
      %mul3A_384 = arith.muli %sub3A_382, %mul3A_383 : i32
      %multiple_of3A_385 = tpu.assume_multiple %mul3A_384, 8 : i32
      %add3A_386 = arith.addi %mul3A_2, %multiple_of3A_385 : i32
      %dma_start3A_387 = arith.constant 1 : i32
      %dma_start3A_388 = arith.constant 0 : i32
      %dma_start3A_389 = tpu.memref_slice %arg4[%add3A_386, %dma_start3A_388] : memref<16384x2304xf32, #tpu.memory_space<hbm>> -> memref<8x2304xf32, #tpu.memory_space<hbm>>
      %dma_start3A_390 = arith.constant 0 : i32
      %dma_start3A_391 = arith.constant 0 : i32
      %dma_start3A_392 = tpu.memref_slice %arg6[%arg1, %dma_start3A_387, %dma_start3A_390, %dma_start3A_391] : memref<16x2x8x2304xf32, #tpu.memory_space<vmem_shared>> -> memref<1x1x8x2304xf32, #tpu.memory_space<vmem_shared>>
      %dma_start3A_393 = tpu.memref_squeeze %dma_start3A_392 : memref<1x1x8x2304xf32, #tpu.memory_space<vmem_shared>> -> memref<8x2304xf32, #tpu.memory_space<vmem_shared>>
      tpu.enqueue_dma source(%dma_start3A_393 : memref<8x2304xf32, #tpu.memory_space<vmem_shared>>) target(%dma_start3A_389 : memref<8x2304xf32, #tpu.memory_space<hbm>>) target_semaphore(%arg20 : memref<!tpu.dma_semaphore, #tpu.memory_space<semaphore_mem>>)
      %add3A_394 = arith.constant 2 : i32
      %add3A_395 = arith.addi %add3A_342, %add3A_394 : i32
      %mul3A_396 = arith.constant 8 : i32
      %mul3A_397 = arith.muli %add3A_395, %mul3A_396 : i32
      %multiple_of3A_398 = tpu.assume_multiple %mul3A_397, 8 : i32
      %dma_start3A_399 = tpu.memref_slice %arg5[%multiple_of3A_398] : memref<512xi32, #tpu.memory_space<vmem>> -> memref<8xi32, #tpu.memory_space<vmem>>
      %dma_start3A_400 = arith.constant 0 : i32
      %dma_start3A_401 = arith.constant 0 : i32
      %dma_start3A_402 = tpu.memref_slice %arg3[%dma_start3A_400, %dma_start3A_401] : memref<257216x2304xf32, #tpu.memory_space<hbm>> -> memref<257216x2304xf32, #tpu.memory_space<hbm>>
      tpu.enqueue_indirect_dma source(%dma_start3A_402 : memref<257216x2304xf32, #tpu.memory_space<hbm>>) target(%arg9 : memref<8x2304xf32, #tpu.memory_space<vmem>>) offsets(%dma_start3A_399 : memref<8xi32, #tpu.memory_space<vmem>>) semaphore(%arg13 : memref<!tpu.dma_semaphore, #tpu.memory_space<semaphore_mem>>)
      %mul3A_403 = arith.constant 4 : i32
      %mul3A_404 = arith.muli %scan3A_205, %mul3A_403 : i32
      %add3A_405 = arith.constant 2 : i32
      %add3A_406 = arith.addi %add3A_405, %mul3A_404 : i32
      %add3A_407 = arith.constant 3 : i32
      %add3A_408 = arith.addi %add3A_406, %add3A_407 : i32
      %mul3A_409 = arith.constant 8 : i32
      %mul3A_410 = arith.muli %add3A_408, %mul3A_409 : i32
      %multiple_of3A_411 = tpu.assume_multiple %mul3A_410, 8 : i32
      %dma_wait3A_412 = tpu.memref_slice %arg5[%multiple_of3A_411] : memref<512xi32, #tpu.memory_space<vmem>> -> memref<8xi32, #tpu.memory_space<vmem>>
      %dma_wait3A_413 = arith.constant 0 : i32
      %dma_wait3A_414 = arith.constant 0 : i32
      %dma_wait3A_415 = tpu.memref_slice %arg3[%dma_wait3A_413, %dma_wait3A_414] : memref<257216x2304xf32, #tpu.memory_space<hbm>> -> memref<257216x2304xf32, #tpu.memory_space<hbm>>
      tpu.wait_indirect_dma semaphore(%arg12 : memref<!tpu.dma_semaphore, #tpu.memory_space<semaphore_mem>>) src(%dma_wait3A_415 : memref<257216x2304xf32, #tpu.memory_space<hbm>>) dst(%arg8 : memref<8x2304xf32, #tpu.memory_space<vmem>>)
      %sub3A_416 = arith.constant 2 : i32
      %sub3A_417 = arith.subi %add3A_408, %sub3A_416 : i32
      %mul3A_418 = arith.constant 8 : i32
      %mul3A_419 = arith.muli %sub3A_417, %mul3A_418 : i32
      %multiple_of3A_420 = tpu.assume_multiple %mul3A_419, 8 : i32
      %add3A_421 = arith.addi %mul3A_2, %multiple_of3A_420 : i32
      %dma_wait3A_422 = arith.constant 1 : i32
      %dma_wait3A_423 = arith.constant 0 : i32
      %dma_wait3A_424 = tpu.memref_slice %arg4[%add3A_421, %dma_wait3A_423] : memref<16384x2304xf32, #tpu.memory_space<hbm>> -> memref<8x2304xf32, #tpu.memory_space<hbm>>
      %dma_wait3A_425 = arith.constant 0 : i32
      %dma_wait3A_426 = arith.constant 0 : i32
      %dma_wait3A_427 = tpu.memref_slice %arg6[%arg1, %dma_wait3A_422, %dma_wait3A_425, %dma_wait3A_426] : memref<16x2x8x2304xf32, #tpu.memory_space<vmem_shared>> -> memref<1x1x8x2304xf32, #tpu.memory_space<vmem_shared>>
      %dma_wait3A_428 = tpu.memref_squeeze %dma_wait3A_427 : memref<1x1x8x2304xf32, #tpu.memory_space<vmem_shared>> -> memref<8x2304xf32, #tpu.memory_space<vmem_shared>>
      tpu.wait_dma2 semaphore(%arg20 : memref<!tpu.dma_semaphore, #tpu.memory_space<semaphore_mem>>) src(%dma_wait3A_428 : memref<8x2304xf32, #tpu.memory_space<vmem_shared>>) dst(%dma_wait3A_424 : memref<8x2304xf32, #tpu.memory_space<hbm>>)
      %dma_start3A_429 = arith.constant 1 : i32
      %dma_start3A_430 = arith.constant 0 : i32
      %dma_start3A_431 = arith.constant 0 : i32
      %dma_start3A_432 = tpu.memref_slice %arg6[%arg1, %dma_start3A_429, %dma_start3A_430, %dma_start3A_431] : memref<16x2x8x2304xf32, #tpu.memory_space<vmem_shared>> -> memref<1x1x8x2304xf32, #tpu.memory_space<vmem_shared>>
      %dma_start3A_433 = tpu.memref_squeeze %dma_start3A_432 : memref<1x1x8x2304xf32, #tpu.memory_space<vmem_shared>> -> memref<8x2304xf32, #tpu.memory_space<vmem_shared>>
      %dma_start3A_434 = arith.constant 0 : i32
      %dma_start3A_435 = arith.constant 0 : i32
      %dma_start3A_436 = tpu.memref_slice %arg6[%arg1, %dma_start3A_429, %dma_start3A_434, %dma_start3A_435] : memref<16x2x8x2304xf32, #tpu.memory_space<vmem_shared>> -> memref<1x1x8x2304xf32, #tpu.memory_space<vmem_shared>>
      %dma_start3A_437 = tpu.memref_squeeze %dma_start3A_436 : memref<1x1x8x2304xf32, #tpu.memory_space<vmem_shared>> -> memref<8x2304xf32, #tpu.memory_space<vmem_shared>>
      tpu.enqueue_dma source(%arg8 : memref<8x2304xf32, #tpu.memory_space<vmem>>) target(%dma_start3A_437 : memref<8x2304xf32, #tpu.memory_space<vmem_shared>>) target_semaphore(%arg16 : memref<!tpu.dma_semaphore, #tpu.memory_space<semaphore_mem>>)
      %dma_wait3A_438 = arith.constant 0 : i32
      %dma_wait3A_439 = arith.constant 0 : i32
      %dma_wait3A_440 = arith.constant 0 : i32
      %dma_wait3A_441 = tpu.memref_slice %arg6[%arg1, %dma_wait3A_438, %dma_wait3A_439, %dma_wait3A_440] : memref<16x2x8x2304xf32, #tpu.memory_space<vmem_shared>> -> memref<1x1x8x2304xf32, #tpu.memory_space<vmem_shared>>
      %dma_wait3A_442 = tpu.memref_squeeze %dma_wait3A_441 : memref<1x1x8x2304xf32, #tpu.memory_space<vmem_shared>> -> memref<8x2304xf32, #tpu.memory_space<vmem_shared>>
      %dma_wait3A_443 = arith.constant 0 : i32
      %dma_wait3A_444 = arith.constant 0 : i32
      %dma_wait3A_445 = tpu.memref_slice %arg6[%arg1, %dma_wait3A_438, %dma_wait3A_443, %dma_wait3A_444] : memref<16x2x8x2304xf32, #tpu.memory_space<vmem_shared>> -> memref<1x1x8x2304xf32, #tpu.memory_space<vmem_shared>>
      %dma_wait3A_446 = tpu.memref_squeeze %dma_wait3A_445 : memref<1x1x8x2304xf32, #tpu.memory_space<vmem_shared>> -> memref<8x2304xf32, #tpu.memory_space<vmem_shared>>
      tpu.wait_dma2 semaphore(%arg15 : memref<!tpu.dma_semaphore, #tpu.memory_space<semaphore_mem>>) src(%arg7 : memref<8x2304xf32, #tpu.memory_space<vmem>>) dst(%dma_wait3A_446 : memref<8x2304xf32, #tpu.memory_space<vmem_shared>>)
      %sub3A_447 = arith.constant 1 : i32
      %sub3A_448 = arith.subi %add3A_408, %sub3A_447 : i32
      %mul3A_449 = arith.constant 8 : i32
      %mul3A_450 = arith.muli %sub3A_448, %mul3A_449 : i32
      %multiple_of3A_451 = tpu.assume_multiple %mul3A_450, 8 : i32
      %add3A_452 = arith.addi %mul3A_2, %multiple_of3A_451 : i32
      %dma_start3A_453 = arith.constant 0 : i32
      %dma_start3A_454 = arith.constant 0 : i32
      %dma_start3A_455 = tpu.memref_slice %arg4[%add3A_452, %dma_start3A_454] : memref<16384x2304xf32, #tpu.memory_space<hbm>> -> memref<8x2304xf32, #tpu.memory_space<hbm>>
      %dma_start3A_456 = arith.constant 0 : i32
      %dma_start3A_457 = arith.constant 0 : i32
      %dma_start3A_458 = tpu.memref_slice %arg6[%arg1, %dma_start3A_453, %dma_start3A_456, %dma_start3A_457] : memref<16x2x8x2304xf32, #tpu.memory_space<vmem_shared>> -> memref<1x1x8x2304xf32, #tpu.memory_space<vmem_shared>>
      %dma_start3A_459 = tpu.memref_squeeze %dma_start3A_458 : memref<1x1x8x2304xf32, #tpu.memory_space<vmem_shared>> -> memref<8x2304xf32, #tpu.memory_space<vmem_shared>>
      tpu.enqueue_dma source(%dma_start3A_459 : memref<8x2304xf32, #tpu.memory_space<vmem_shared>>) target(%dma_start3A_455 : memref<8x2304xf32, #tpu.memory_space<hbm>>) target_semaphore(%arg19 : memref<!tpu.dma_semaphore, #tpu.memory_space<semaphore_mem>>)
      %add3A_460 = arith.constant 2 : i32
      %add3A_461 = arith.addi %add3A_408, %add3A_460 : i32
      %mul3A_462 = arith.constant 8 : i32
      %mul3A_463 = arith.muli %add3A_461, %mul3A_462 : i32
      %multiple_of3A_464 = tpu.assume_multiple %mul3A_463, 8 : i32
      %dma_start3A_465 = tpu.memref_slice %arg5[%multiple_of3A_464] : memref<512xi32, #tpu.memory_space<vmem>> -> memref<8xi32, #tpu.memory_space<vmem>>
      %dma_start3A_466 = arith.constant 0 : i32
      %dma_start3A_467 = arith.constant 0 : i32
      %dma_start3A_468 = tpu.memref_slice %arg3[%dma_start3A_466, %dma_start3A_467] : memref<257216x2304xf32, #tpu.memory_space<hbm>> -> memref<257216x2304xf32, #tpu.memory_space<hbm>>
      tpu.enqueue_indirect_dma source(%dma_start3A_468 : memref<257216x2304xf32, #tpu.memory_space<hbm>>) target(%arg10 : memref<8x2304xf32, #tpu.memory_space<vmem>>) offsets(%dma_start3A_465 : memref<8xi32, #tpu.memory_space<vmem>>) semaphore(%arg14 : memref<!tpu.dma_semaphore, #tpu.memory_space<semaphore_mem>>)
    }
    %scan3A_77 = arith.constant 15 : i32
    %multiple_of3A_78 = arith.constant 496 : i32
    %multiple_of3A_79 = tpu.assume_multiple %multiple_of3A_78, 8 : i32
    %dma_wait3A_80 = tpu.memref_slice %arg5[%multiple_of3A_79] : memref<512xi32, #tpu.memory_space<vmem>> -> memref<8xi32, #tpu.memory_space<vmem>>
    %dma_wait3A_81 = arith.constant 0 : i32
    %dma_wait3A_82 = arith.constant 0 : i32
    %dma_wait3A_83 = tpu.memref_slice %arg3[%dma_wait3A_81, %dma_wait3A_82] : memref<257216x2304xf32, #tpu.memory_space<hbm>> -> memref<257216x2304xf32, #tpu.memory_space<hbm>>
    tpu.wait_indirect_dma semaphore(%arg13 : memref<!tpu.dma_semaphore, #tpu.memory_space<semaphore_mem>>) src(%dma_wait3A_83 : memref<257216x2304xf32, #tpu.memory_space<hbm>>) dst(%arg9 : memref<8x2304xf32, #tpu.memory_space<vmem>>)
    %multiple_of3A_84 = arith.constant 480 : i32
    %multiple_of3A_85 = tpu.assume_multiple %multiple_of3A_84, 8 : i32
    %add3A_86 = arith.addi %mul3A_2, %multiple_of3A_85 : i32
    %dma_wait3A_87 = arith.constant 0 : i32
    %dma_wait3A_88 = arith.constant 0 : i32
    %dma_wait3A_89 = tpu.memref_slice %arg4[%add3A_86, %dma_wait3A_88] : memref<16384x2304xf32, #tpu.memory_space<hbm>> -> memref<8x2304xf32, #tpu.memory_space<hbm>>
    %dma_wait3A_90 = arith.constant 0 : i32
    %dma_wait3A_91 = arith.constant 0 : i32
    %dma_wait3A_92 = tpu.memref_slice %arg6[%arg1, %dma_wait3A_87, %dma_wait3A_90, %dma_wait3A_91] : memref<16x2x8x2304xf32, #tpu.memory_space<vmem_shared>> -> memref<1x1x8x2304xf32, #tpu.memory_space<vmem_shared>>
    %dma_wait3A_93 = tpu.memref_squeeze %dma_wait3A_92 : memref<1x1x8x2304xf32, #tpu.memory_space<vmem_shared>> -> memref<8x2304xf32, #tpu.memory_space<vmem_shared>>
    tpu.wait_dma2 semaphore(%arg19 : memref<!tpu.dma_semaphore, #tpu.memory_space<semaphore_mem>>) src(%dma_wait3A_93 : memref<8x2304xf32, #tpu.memory_space<vmem_shared>>) dst(%dma_wait3A_89 : memref<8x2304xf32, #tpu.memory_space<hbm>>)
    %dma_start3A_94 = arith.constant 0 : i32
    %dma_start3A_95 = arith.constant 0 : i32
    %dma_start3A_96 = arith.constant 0 : i32
    %dma_start3A_97 = tpu.memref_slice %arg6[%arg1, %dma_start3A_94, %dma_start3A_95, %dma_start3A_96] : memref<16x2x8x2304xf32, #tpu.memory_space<vmem_shared>> -> memref<1x1x8x2304xf32, #tpu.memory_space<vmem_shared>>
    %dma_start3A_98 = tpu.memref_squeeze %dma_start3A_97 : memref<1x1x8x2304xf32, #tpu.memory_space<vmem_shared>> -> memref<8x2304xf32, #tpu.memory_space<vmem_shared>>
    %dma_start3A_99 = arith.constant 0 : i32
    %dma_start3A_100 = arith.constant 0 : i32
    %dma_start3A_101 = tpu.memref_slice %arg6[%arg1, %dma_start3A_94, %dma_start3A_99, %dma_start3A_100] : memref<16x2x8x2304xf32, #tpu.memory_space<vmem_shared>> -> memref<1x1x8x2304xf32, #tpu.memory_space<vmem_shared>>
    %dma_start3A_102 = tpu.memref_squeeze %dma_start3A_101 : memref<1x1x8x2304xf32, #tpu.memory_space<vmem_shared>> -> memref<8x2304xf32, #tpu.memory_space<vmem_shared>>
    tpu.enqueue_dma source(%arg9 : memref<8x2304xf32, #tpu.memory_space<vmem>>) target(%dma_start3A_102 : memref<8x2304xf32, #tpu.memory_space<vmem_shared>>) target_semaphore(%arg17 : memref<!tpu.dma_semaphore, #tpu.memory_space<semaphore_mem>>)
    %dma_wait3A_103 = arith.constant 1 : i32
    %dma_wait3A_104 = arith.constant 0 : i32
    %dma_wait3A_105 = arith.constant 0 : i32
    %dma_wait3A_106 = tpu.memref_slice %arg6[%arg1, %dma_wait3A_103, %dma_wait3A_104, %dma_wait3A_105] : memref<16x2x8x2304xf32, #tpu.memory_space<vmem_shared>> -> memref<1x1x8x2304xf32, #tpu.memory_space<vmem_shared>>
    %dma_wait3A_107 = tpu.memref_squeeze %dma_wait3A_106 : memref<1x1x8x2304xf32, #tpu.memory_space<vmem_shared>> -> memref<8x2304xf32, #tpu.memory_space<vmem_shared>>
    %dma_wait3A_108 = arith.constant 0 : i32
    %dma_wait3A_109 = arith.constant 0 : i32
    %dma_wait3A_110 = tpu.memref_slice %arg6[%arg1, %dma_wait3A_103, %dma_wait3A_108, %dma_wait3A_109] : memref<16x2x8x2304xf32, #tpu.memory_space<vmem_shared>> -> memref<1x1x8x2304xf32, #tpu.memory_space<vmem_shared>>
    %dma_wait3A_111 = tpu.memref_squeeze %dma_wait3A_110 : memref<1x1x8x2304xf32, #tpu.memory_space<vmem_shared>> -> memref<8x2304xf32, #tpu.memory_space<vmem_shared>>
    tpu.wait_dma2 semaphore(%arg16 : memref<!tpu.dma_semaphore, #tpu.memory_space<semaphore_mem>>) src(%arg8 : memref<8x2304xf32, #tpu.memory_space<vmem>>) dst(%dma_wait3A_111 : memref<8x2304xf32, #tpu.memory_space<vmem_shared>>)
    %multiple_of3A_112 = arith.constant 488 : i32
    %multiple_of3A_113 = tpu.assume_multiple %multiple_of3A_112, 8 : i32
    %add3A_114 = arith.addi %mul3A_2, %multiple_of3A_113 : i32
    %dma_start3A_115 = arith.constant 1 : i32
    %dma_start3A_116 = arith.constant 0 : i32
    %dma_start3A_117 = tpu.memref_slice %arg4[%add3A_114, %dma_start3A_116] : memref<16384x2304xf32, #tpu.memory_space<hbm>> -> memref<8x2304xf32, #tpu.memory_space<hbm>>
    %dma_start3A_118 = arith.constant 0 : i32
    %dma_start3A_119 = arith.constant 0 : i32
    %dma_start3A_120 = tpu.memref_slice %arg6[%arg1, %dma_start3A_115, %dma_start3A_118, %dma_start3A_119] : memref<16x2x8x2304xf32, #tpu.memory_space<vmem_shared>> -> memref<1x1x8x2304xf32, #tpu.memory_space<vmem_shared>>
    %dma_start3A_121 = tpu.memref_squeeze %dma_start3A_120 : memref<1x1x8x2304xf32, #tpu.memory_space<vmem_shared>> -> memref<8x2304xf32, #tpu.memory_space<vmem_shared>>
    tpu.enqueue_dma source(%dma_start3A_121 : memref<8x2304xf32, #tpu.memory_space<vmem_shared>>) target(%dma_start3A_117 : memref<8x2304xf32, #tpu.memory_space<hbm>>) target_semaphore(%arg20 : memref<!tpu.dma_semaphore, #tpu.memory_space<semaphore_mem>>)
    %multiple_of3A_122 = arith.constant 504 : i32
    %multiple_of3A_123 = tpu.assume_multiple %multiple_of3A_122, 8 : i32
    %dma_wait3A_124 = tpu.memref_slice %arg5[%multiple_of3A_123] : memref<512xi32, #tpu.memory_space<vmem>> -> memref<8xi32, #tpu.memory_space<vmem>>
    %dma_wait3A_125 = arith.constant 0 : i32
    %dma_wait3A_126 = arith.constant 0 : i32
    %dma_wait3A_127 = tpu.memref_slice %arg3[%dma_wait3A_125, %dma_wait3A_126] : memref<257216x2304xf32, #tpu.memory_space<hbm>> -> memref<257216x2304xf32, #tpu.memory_space<hbm>>
    tpu.wait_indirect_dma semaphore(%arg14 : memref<!tpu.dma_semaphore, #tpu.memory_space<semaphore_mem>>) src(%dma_wait3A_127 : memref<257216x2304xf32, #tpu.memory_space<hbm>>) dst(%arg10 : memref<8x2304xf32, #tpu.memory_space<vmem>>)
    %multiple_of3A_128 = arith.constant 488 : i32
    %multiple_of3A_129 = tpu.assume_multiple %multiple_of3A_128, 8 : i32
    %add3A_130 = arith.addi %mul3A_2, %multiple_of3A_129 : i32
    %dma_wait3A_131 = arith.constant 1 : i32
    %dma_wait3A_132 = arith.constant 0 : i32
    %dma_wait3A_133 = tpu.memref_slice %arg4[%add3A_130, %dma_wait3A_132] : memref<16384x2304xf32, #tpu.memory_space<hbm>> -> memref<8x2304xf32, #tpu.memory_space<hbm>>
    %dma_wait3A_134 = arith.constant 0 : i32
    %dma_wait3A_135 = arith.constant 0 : i32
    %dma_wait3A_136 = tpu.memref_slice %arg6[%arg1, %dma_wait3A_131, %dma_wait3A_134, %dma_wait3A_135] : memref<16x2x8x2304xf32, #tpu.memory_space<vmem_shared>> -> memref<1x1x8x2304xf32, #tpu.memory_space<vmem_shared>>
    %dma_wait3A_137 = tpu.memref_squeeze %dma_wait3A_136 : memref<1x1x8x2304xf32, #tpu.memory_space<vmem_shared>> -> memref<8x2304xf32, #tpu.memory_space<vmem_shared>>
    tpu.wait_dma2 semaphore(%arg20 : memref<!tpu.dma_semaphore, #tpu.memory_space<semaphore_mem>>) src(%dma_wait3A_137 : memref<8x2304xf32, #tpu.memory_space<vmem_shared>>) dst(%dma_wait3A_133 : memref<8x2304xf32, #tpu.memory_space<hbm>>)
    %dma_start3A_138 = arith.constant 1 : i32
    %dma_start3A_139 = arith.constant 0 : i32
    %dma_start3A_140 = arith.constant 0 : i32
    %dma_start3A_141 = tpu.memref_slice %arg6[%arg1, %dma_start3A_138, %dma_start3A_139, %dma_start3A_140] : memref<16x2x8x2304xf32, #tpu.memory_space<vmem_shared>> -> memref<1x1x8x2304xf32, #tpu.memory_space<vmem_shared>>
    %dma_start3A_142 = tpu.memref_squeeze %dma_start3A_141 : memref<1x1x8x2304xf32, #tpu.memory_space<vmem_shared>> -> memref<8x2304xf32, #tpu.memory_space<vmem_shared>>
    %dma_start3A_143 = arith.constant 0 : i32
    %dma_start3A_144 = arith.constant 0 : i32
    %dma_start3A_145 = tpu.memref_slice %arg6[%arg1, %dma_start3A_138, %dma_start3A_143, %dma_start3A_144] : memref<16x2x8x2304xf32, #tpu.memory_space<vmem_shared>> -> memref<1x1x8x2304xf32, #tpu.memory_space<vmem_shared>>
    %dma_start3A_146 = tpu.memref_squeeze %dma_start3A_145 : memref<1x1x8x2304xf32, #tpu.memory_space<vmem_shared>> -> memref<8x2304xf32, #tpu.memory_space<vmem_shared>>
    tpu.enqueue_dma source(%arg10 : memref<8x2304xf32, #tpu.memory_space<vmem>>) target(%dma_start3A_146 : memref<8x2304xf32, #tpu.memory_space<vmem_shared>>) target_semaphore(%arg18 : memref<!tpu.dma_semaphore, #tpu.memory_space<semaphore_mem>>)
    %dma_wait3A_147 = arith.constant 0 : i32
    %dma_wait3A_148 = arith.constant 0 : i32
    %dma_wait3A_149 = arith.constant 0 : i32
    %dma_wait3A_150 = tpu.memref_slice %arg6[%arg1, %dma_wait3A_147, %dma_wait3A_148, %dma_wait3A_149] : memref<16x2x8x2304xf32, #tpu.memory_space<vmem_shared>> -> memref<1x1x8x2304xf32, #tpu.memory_space<vmem_shared>>
    %dma_wait3A_151 = tpu.memref_squeeze %dma_wait3A_150 : memref<1x1x8x2304xf32, #tpu.memory_space<vmem_shared>> -> memref<8x2304xf32, #tpu.memory_space<vmem_shared>>
    %dma_wait3A_152 = arith.constant 0 : i32
    %dma_wait3A_153 = arith.constant 0 : i32
    %dma_wait3A_154 = tpu.memref_slice %arg6[%arg1, %dma_wait3A_147, %dma_wait3A_152, %dma_wait3A_153] : memref<16x2x8x2304xf32, #tpu.memory_space<vmem_shared>> -> memref<1x1x8x2304xf32, #tpu.memory_space<vmem_shared>>
    %dma_wait3A_155 = tpu.memref_squeeze %dma_wait3A_154 : memref<1x1x8x2304xf32, #tpu.memory_space<vmem_shared>> -> memref<8x2304xf32, #tpu.memory_space<vmem_shared>>
    tpu.wait_dma2 semaphore(%arg17 : memref<!tpu.dma_semaphore, #tpu.memory_space<semaphore_mem>>) src(%arg9 : memref<8x2304xf32, #tpu.memory_space<vmem>>) dst(%dma_wait3A_155 : memref<8x2304xf32, #tpu.memory_space<vmem_shared>>)
    %multiple_of3A_156 = arith.constant 496 : i32
    %multiple_of3A_157 = tpu.assume_multiple %multiple_of3A_156, 8 : i32
    %add3A_158 = arith.addi %mul3A_2, %multiple_of3A_157 : i32
    %dma_start3A_159 = arith.constant 0 : i32
    %dma_start3A_160 = arith.constant 0 : i32
    %dma_start3A_161 = tpu.memref_slice %arg4[%add3A_158, %dma_start3A_160] : memref<16384x2304xf32, #tpu.memory_space<hbm>> -> memref<8x2304xf32, #tpu.memory_space<hbm>>
    %dma_start3A_162 = arith.constant 0 : i32
    %dma_start3A_163 = arith.constant 0 : i32
    %dma_start3A_164 = tpu.memref_slice %arg6[%arg1, %dma_start3A_159, %dma_start3A_162, %dma_start3A_163] : memref<16x2x8x2304xf32, #tpu.memory_space<vmem_shared>> -> memref<1x1x8x2304xf32, #tpu.memory_space<vmem_shared>>
    %dma_start3A_165 = tpu.memref_squeeze %dma_start3A_164 : memref<1x1x8x2304xf32, #tpu.memory_space<vmem_shared>> -> memref<8x2304xf32, #tpu.memory_space<vmem_shared>>
    tpu.enqueue_dma source(%dma_start3A_165 : memref<8x2304xf32, #tpu.memory_space<vmem_shared>>) target(%dma_start3A_161 : memref<8x2304xf32, #tpu.memory_space<hbm>>) target_semaphore(%arg19 : memref<!tpu.dma_semaphore, #tpu.memory_space<semaphore_mem>>)
    %dma_wait3A_166 = arith.constant 1 : i32
    %dma_wait3A_167 = arith.constant 0 : i32
    %dma_wait3A_168 = arith.constant 0 : i32
    %dma_wait3A_169 = tpu.memref_slice %arg6[%arg1, %dma_wait3A_166, %dma_wait3A_167, %dma_wait3A_168] : memref<16x2x8x2304xf32, #tpu.memory_space<vmem_shared>> -> memref<1x1x8x2304xf32, #tpu.memory_space<vmem_shared>>
    %dma_wait3A_170 = tpu.memref_squeeze %dma_wait3A_169 : memref<1x1x8x2304xf32, #tpu.memory_space<vmem_shared>> -> memref<8x2304xf32, #tpu.memory_space<vmem_shared>>
    %dma_wait3A_171 = arith.constant 0 : i32
    %dma_wait3A_172 = arith.constant 0 : i32
    %dma_wait3A_173 = tpu.memref_slice %arg6[%arg1, %dma_wait3A_166, %dma_wait3A_171, %dma_wait3A_172] : memref<16x2x8x2304xf32, #tpu.memory_space<vmem_shared>> -> memref<1x1x8x2304xf32, #tpu.memory_space<vmem_shared>>
    %dma_wait3A_174 = tpu.memref_squeeze %dma_wait3A_173 : memref<1x1x8x2304xf32, #tpu.memory_space<vmem_shared>> -> memref<8x2304xf32, #tpu.memory_space<vmem_shared>>
    tpu.wait_dma2 semaphore(%arg18 : memref<!tpu.dma_semaphore, #tpu.memory_space<semaphore_mem>>) src(%arg10 : memref<8x2304xf32, #tpu.memory_space<vmem>>) dst(%dma_wait3A_174 : memref<8x2304xf32, #tpu.memory_space<vmem_shared>>)
    %multiple_of3A_175 = arith.constant 504 : i32
    %multiple_of3A_176 = tpu.assume_multiple %multiple_of3A_175, 8 : i32
    %add3A_177 = arith.addi %mul3A_2, %multiple_of3A_176 : i32
    %dma_start3A_178 = arith.constant 1 : i32
    %dma_start3A_179 = arith.constant 0 : i32
    %dma_start3A_180 = tpu.memref_slice %arg4[%add3A_177, %dma_start3A_179] : memref<16384x2304xf32, #tpu.memory_space<hbm>> -> memref<8x2304xf32, #tpu.memory_space<hbm>>
    %dma_start3A_181 = arith.constant 0 : i32
    %dma_start3A_182 = arith.constant 0 : i32
    %dma_start3A_183 = tpu.memref_slice %arg6[%arg1, %dma_start3A_178, %dma_start3A_181, %dma_start3A_182] : memref<16x2x8x2304xf32, #tpu.memory_space<vmem_shared>> -> memref<1x1x8x2304xf32, #tpu.memory_space<vmem_shared>>
    %dma_start3A_184 = tpu.memref_squeeze %dma_start3A_183 : memref<1x1x8x2304xf32, #tpu.memory_space<vmem_shared>> -> memref<8x2304xf32, #tpu.memory_space<vmem_shared>>
    tpu.enqueue_dma source(%dma_start3A_184 : memref<8x2304xf32, #tpu.memory_space<vmem_shared>>) target(%dma_start3A_180 : memref<8x2304xf32, #tpu.memory_space<hbm>>) target_semaphore(%arg20 : memref<!tpu.dma_semaphore, #tpu.memory_space<semaphore_mem>>)
    %multiple_of3A_185 = arith.constant 496 : i32
    %multiple_of3A_186 = tpu.assume_multiple %multiple_of3A_185, 8 : i32
    %add3A_187 = arith.addi %mul3A_2, %multiple_of3A_186 : i32
    %dma_wait3A_188 = arith.constant 0 : i32
    %dma_wait3A_189 = arith.constant 0 : i32
    %dma_wait3A_190 = tpu.memref_slice %arg4[%add3A_187, %dma_wait3A_189] : memref<16384x2304xf32, #tpu.memory_space<hbm>> -> memref<8x2304xf32, #tpu.memory_space<hbm>>
    %dma_wait3A_191 = arith.constant 0 : i32
    %dma_wait3A_192 = arith.constant 0 : i32
    %dma_wait3A_193 = tpu.memref_slice %arg6[%arg1, %dma_wait3A_188, %dma_wait3A_191, %dma_wait3A_192] : memref<16x2x8x2304xf32, #tpu.memory_space<vmem_shared>> -> memref<1x1x8x2304xf32, #tpu.memory_space<vmem_shared>>
    %dma_wait3A_194 = tpu.memref_squeeze %dma_wait3A_193 : memref<1x1x8x2304xf32, #tpu.memory_space<vmem_shared>> -> memref<8x2304xf32, #tpu.memory_space<vmem_shared>>
    tpu.wait_dma2 semaphore(%arg19 : memref<!tpu.dma_semaphore, #tpu.memory_space<semaphore_mem>>) src(%dma_wait3A_194 : memref<8x2304xf32, #tpu.memory_space<vmem_shared>>) dst(%dma_wait3A_190 : memref<8x2304xf32, #tpu.memory_space<hbm>>)
    %multiple_of3A_195 = arith.constant 504 : i32
    %multiple_of3A_196 = tpu.assume_multiple %multiple_of3A_195, 8 : i32
    %add3A_197 = arith.addi %mul3A_2, %multiple_of3A_196 : i32
    %dma_wait3A_198 = arith.constant 1 : i32
    %dma_wait3A_199 = arith.constant 0 : i32
    %dma_wait3A_200 = tpu.memref_slice %arg4[%add3A_197, %dma_wait3A_199] : memref<16384x2304xf32, #tpu.memory_space<hbm>> -> memref<8x2304xf32, #tpu.memory_space<hbm>>
    %dma_wait3A_201 = arith.constant 0 : i32
    %dma_wait3A_202 = arith.constant 0 : i32
    %dma_wait3A_203 = tpu.memref_slice %arg6[%arg1, %dma_wait3A_198, %dma_wait3A_201, %dma_wait3A_202] : memref<16x2x8x2304xf32, #tpu.memory_space<vmem_shared>> -> memref<1x1x8x2304xf32, #tpu.memory_space<vmem_shared>>
    %dma_wait3A_204 = tpu.memref_squeeze %dma_wait3A_203 : memref<1x1x8x2304xf32, #tpu.memory_space<vmem_shared>> -> memref<8x2304xf32, #tpu.memory_space<vmem_shared>>
    tpu.wait_dma2 semaphore(%arg20 : memref<!tpu.dma_semaphore, #tpu.memory_space<semaphore_mem>>) src(%dma_wait3A_204 : memref<8x2304xf32, #tpu.memory_space<vmem_shared>>) dst(%dma_wait3A_200 : memref<8x2304xf32, #tpu.memory_space<hbm>>)
    return
  }
}

</mosaic_0001>

<sc_bundles>
// kernel: kernel.3.cloned.1.call-start
scs
__scs_entry_jumppad:
0x0: {  	(pc) =	sbr.rel $0x88, $3  }
0x1: {  	(tag) =	ssettag $0x0;
	lr =	simm.s32 $0x1  }
0x2: {  	[smem:$0x3F9F] =	sst lr;
	_ =	strace $0xD0000000  }
0x3: {  	_ = 	snop  }
0x4: {  	_ = 	snop  }
0x5: {  	_ = 	snop  }
0x6: {  	_ = 	snop  }
0x7: {  	_ = 	snop  }
__scs_overlays_trampoline_lowered:
0x8: {  	[smem:$0x3FAE] =	sst s0  }
0x9: {  	[smem:$0x3FAF] =	sst s1  }
0xa: {  	[smem:$0x3FB0] =	sst s2  }
0xb: {  	[smem:$0x3FB1] =	sst s3  }
0xc: {  	[smem:$0x3FB2] =	sst s4  }
0xd: {  	[smem:$0x3FB3] =	sst s5  }
0xe: {  	[smem:$0x3FB4] =	sst s6  }
0xf: {  	[smem:$0x3FB5] =	sst s7  }
0x10: {  	[smem:$0x3FB6] =	sst s8  }
0x11: {  	[smem:$0x3FB7] =	sst s9;
	s0 =	simm.s32 @!p0 $0x0  }
0x12: {  	s1 =	sld [smem:$0x3F9D];
	s0 =	simm.s32 @p0 $0x1  }
0x13: {  	[smem:$0x3FB8] =	sst s0;
	s0 =	simm.s32 @!p1 $0x0  }
0x14: {  	s2 =	sld [smem:$0x3F9C];
	s0 =	simm.s32 @p1 $0x1  }
0x15: {  	[smem:$0x3FB9] =	sst s0;
	s0 =	simm.s32 @!p2 $0x0  }
0x16: {  	s3 =	sld [smem:$0x3FDB];
	s0 =	simm.s32 @p2 $0x1  }
0x17: {  	s4 =	simm.s32 $0x1BF5;
	[smem:$0x3FBB] =	sst s0  }
0x18: {  	s0 =	sld [smem:$0x3F9E];
	_ =	swait.ge [sflag:s4], $0x0  }
0x19: {  	s7 =	sld [smem:$0x3F9F]  }
0x1a: {  	s8 =	sadd.s32 $0xFFFFE003, lr  }
0x1b: {  	s9 =	sadd.s32 $0xFFFFFEF7, lr;
	s5 =	simm.s32 $0xFFFFFFFF;
	p2 =	slt.u32 s8, $0xFFFFF086  }
0x1c: {  	p1 =	slt.u32 s9, $0xF7A;
	s5 =	simm.s32 @!p2 $0x0  }
0x1d: {  	s5 =	simm.s32 @p1 $0x1;
	p0 =	seq.s32 s7, s2  }
0x1e: {  	s7 =	smul.u32 @!p0 $0xF7A, s2;
	p2 =	seq.s32 @!p0 s5, $0x0  }
0x1f: {  	s9 =	smul.u32 $0xF7A, s1;
	s8 =	simm.s32 @!p0 $0x1BF5;
	p2 =	por !p2, p0  }
0x20: {  	[sflag:s8] =	ssyncset.s32 @!p0 $0xFFFFF086;
	s6 =	sadd.s32 @!p0 s3, s7;
	s7 =	simm.s32 @!p0 $0x108  }
0x21: {  	s3 =	sadd.s32 s3, s9;
	s6 =	sadd.s32 @!p0 $0x88, s6;
	s7 =	simm.s32 @p2 $0x1082  }
0x22: {  	[simem:s7], [sflag:s8] =	dma.local @!p0 [hbm:s6], $0xF7A  }
0x23: {  	s9 =	sor.u32 $0xD0000000, s2;
	s6 =	simm.s32 $0x108;
	_ =	swait.ge @!p0 [sflag:s8], $0x0  }
0x24: {  	s3 =	sadd.s32 $0x88, s3;
	s6 =	simm.s32 @!p1 $0x1082;
	[sflag:s4] =	ssyncset.s32 $0xFFFFF086  }
0x25: {  	[simem:s6], [sflag:s4] =	dma.local [hbm:s3], $0xF7A  }
0x26: {  	[smem:$0x3F9F] =	sst s1;
	(tag) =	ssettag s2;
	_ =	strace s9  }
0x27: {  	s1 =	sld [smem:$0x3FAF]  }
0x28: {  	s2 =	sld [smem:$0x3FB0]  }
0x29: {  	s4 =	sld [smem:$0x3FB2]  }
0x2a: {  	p0 =	seq.s32 s5, $0x0;
	s5 =	sld [smem:$0x3FB3]  }
0x2b: {  	s6 =	sld [smem:$0x3FB4]  }
0x2c: {  	s7 =	sld [smem:$0x3FB5]  }
0x2d: {  	s3 =	simm.s32 $0x108;
	s8 =	sld [smem:$0x3FB6]  }
0x2e: {  	s3 =	simm.s32 @!p0 $0x1082;
	s9 =	sld [smem:$0x3FB7]  }
0x2f: {  	lr =	sadd.s32 s0, s3;
	s0 =	sld [smem:$0x3FAE]  }
0x30: {  	s3 =	sld [smem:$0x3FB1]  }
0x31: {  	[smem:$0x3FBA] =	sst s10  }
0x32: {  	s10 =	sld [smem:$0x3FB8];
	_ =	sdelay $0x3  }
0x33: {  	p0 =	seq.s32 s10, $0x1;
	s10 =	sld [smem:$0x3FBA];
	_ =	sdelay $0x3  }
0x34: {  	[smem:$0x3FBA] =	sst s10  }
0x35: {  	s10 =	sld [smem:$0x3FB9];
	_ =	sdelay $0x3  }
0x36: {  	p1 =	seq.s32 s10, $0x1;
	s10 =	sld [smem:$0x3FBA];
	_ =	sdelay $0x3  }
0x37: {  	[smem:$0x3FBA] =	sst s10  }
0x38: {  	s10 =	sld [smem:$0x3FBB]  }
0x39: {  	_ = 	snop;
	(pc) =	sbr.ind lr, $3  }
0x3a: {  	_ = 	snop  }
0x3b: {  	_ = 	snop  }
0x3c: {  	p2 =	seq.s32 s10, $0x1;
	s10 =	sld [smem:$0x3FBA]  }
0x3d: {  	_ =	shalt  }
0x3e: {  	_ =	shalt  }
0x3f: {  	_ =	shalt  }
0x40: {  	_ =	shalt  }
0x41: {  	_ =	shalt  }
0x42: {  	_ =	shalt  }
0x43: {  	_ =	shalt  }
0x44: {  	_ =	shalt  }
0x45: {  	_ =	shalt  }
0x46: {  	_ =	shalt  }
0x47: {  	_ =	shalt  }
0x48: {  	_ =	shalt  }
0x49: {  	_ =	shalt  }
0x4a: {  	_ =	shalt  }
0x4b: {  	_ =	shalt  }
0x4c: {  	_ =	shalt  }
0x4d: {  	_ =	shalt  }
0x4e: {  	_ =	shalt  }
0x4f: {  	_ =	shalt  }
0x50: {  	_ =	shalt  }
0x51: {  	_ =	shalt  }
0x52: {  	_ =	shalt  }
0x53: {  	_ =	shalt  }
0x54: {  	_ =	shalt  }
0x55: {  	_ =	shalt  }
0x56: {  	_ =	shalt  }
0x57: {  	_ =	shalt  }
0x58: {  	_ =	shalt  }
0x59: {  	_ =	shalt  }
0x5a: {  	_ =	shalt  }
0x5b: {  	_ =	shalt  }
0x5c: {  	_ =	shalt  }
0x5d: {  	_ =	shalt  }
0x5e: {  	_ =	shalt  }
0x5f: {  	_ =	shalt  }
0x60: {  	_ =	shalt  }
0x61: {  	_ =	shalt  }
0x62: {  	_ =	shalt  }
0x63: {  	_ =	shalt  }
0x64: {  	_ =	shalt  }
0x65: {  	_ =	shalt  }
0x66: {  	_ =	shalt  }
0x67: {  	_ =	shalt  }
0x68: {  	_ =	shalt  }
0x69: {  	_ =	shalt  }
0x6a: {  	_ =	shalt  }
0x6b: {  	_ =	shalt  }
0x6c: {  	_ =	shalt  }
0x6d: {  	_ =	shalt  }
0x6e: {  	_ =	shalt  }
0x6f: {  	_ =	shalt  }
0x70: {  	_ =	shalt  }
0x71: {  	_ =	shalt  }
0x72: {  	_ =	shalt  }
0x73: {  	_ =	shalt  }
0x74: {  	_ =	shalt  }
0x75: {  	_ =	shalt  }
0x76: {  	_ =	shalt  }
0x77: {  	_ =	shalt  }
0x78: {  	_ =	shalt  }
0x79: {  	_ =	shalt  }
0x7a: {  	_ =	shalt  }
0x7b: {  	_ =	shalt  }
0x7c: {  	_ =	shalt  }
0x7d: {  	_ =	shalt  }
0x7e: {  	_ =	shalt  }
0x7f: {  	_ =	shalt  }
0x80: {  	_ =	shalt  }
0x81: {  	_ =	shalt  }
0x82: {  	_ =	shalt  }
0x83: {  	_ =	shalt  }
0x84: {  	_ =	shalt  }
0x85: {  	_ =	shalt  }
0x86: {  	_ =	shalt  }
0x87: {  	_ =	shalt  }
.Lfunc_end0:
.L_simem_size_0:
called_computation_lowered:
.L_overlay_start_0:
0x88: {  	s2 =	sld [smem:$0x3FD9]  }
0x89: {  	s3 =	sld [smem:$0x3FFE];
	_ =	sdelay $0x1  }
0x8a: {  	s1 =	srdreg.scid  }
0x8b: {  	s0 =	sand.u32 $0x1, s1  }
0x8c: {  	s17 =	sshll.u32 s0, $0xA;
	s2 =	sadd.s32 s3, s2  }
0x8d: {  	s2 =	sadd.s32 s2, s17  }
0x8e: {  	[smem:$0x3FC6] =	sst s2  }
0x8f: {  	_ = 	snop  }
0x90: {  	s2 =	sld [smem:$0x3FC8]  }
0x91: {  	s18 =	sld [smem:$0x3FD0];
	(tm) =	ssettm $0x1  }
0x92: {  	s4 =	sld [smem:$0x3FFB];
	_ =	sdelay $0x3  }
0x93: {  	_ =	strace s4  }
0x94: {  	s4 =	sld [smem:$0x3FFC];
	_ =	sdelay $0x3  }
0x95: {  	_ =	strace s4  }
0x96: {  	s4 =	sld [smem:$0x3FFD];
	_ =	sdelay $0x3  }
0x97: {  	_ =	strace s4  }
0x98: {  	_ =	strace $0x8FFFFFFF  }
0x99: {  	s19 =	sld [smem:$0x3FDB];
	_ =	sdelay $0x1  }
0x9a: {  	s5 =	simm.s32 $_scs_section_size  }
0x9b: {  	s6 =	simm.s32 $_size__tile_overlayer_lowered;
	s7 =	simm.s32 $_tile_overlayer_lowered  }
0x9c: {  	s22 =	simm.s32 $0x1BFF;
	s21 =	sshll.u32 s7, $0x1;
	s4 =	sadd.s32 s5, s19  }
0x9d: {  	s8 =	simm.s32 $0x0;
	s20 =	sshll.u32 s6, $0x1;
	s6 =	sadd.s32 s21, s4  }
0x9e: {  	[timem:s8], [sflag:s22] =	dma.local [hbm:s6], s20  }
0x9f: {  	_ =	swait.ge [sflag:s22], s20  }
0xa0: {  	s5 =	ssub.s32 $0x0, s20;
	[sflag:s22] =	ssyncset.done $0x0  }
0xa1: {  	[sflag:s22] =	ssyncadd.s32 s5;
	_ =	sdelay $0x1  }
0xa2: {  	s23 =	simm.s32 $0x1B8B  }
0xa3: {  	_ =	swait.ge [sflag:s23], $0x1  }
0xa4: {  	[sflag:s23] =	ssyncset.done $0x0  }
0xa5: {  	s25 =	simm.s32 $0x1B8E;
	s24 =	sld [smem:$0x3FFE];
	[sflag:s23] =	ssyncadd.s32 $0xFFFFFFFF  }
0xa6: {  	s26 =	simm.s32 $execute0_lowered;
	[smem:$0x3FD2] =	sst s25  }
0xa7: {  	s6 =	sshll.u32 s26, $0x1;
	_ =	strace $0x80000046;
	[dreg:$0x1] =	wrdreg $0xFFFFFFFF  }
0xa8: {  	s28 =	simm.s32 $_size_execute0_lowered;
	s4 =	sadd.s32 s4, s6;
	[dreg:$0x0] =	wrdreg $0x0  }
0xa9: {  	s6 =	sshll.u32 s28, $0x1;
	[dreg:$0x2] =	wrdreg s4  }
0xaa: {  	[dreg:$0x3] =	wrdreg s6  }
0xab: {  	[dreg:$0x4] =	wrdreg $0xC0  }
0xac: {  	_ =	task [dreg:s8], $0x5FFFF  }
0xad: {  	[dreg:$0x1] =	wrdreg $0xFFFFFFFF  }
0xae: {  	[dreg:$0x0] =	wrdreg $0x60  }
0xaf: {  	[dreg:$0x2] =	wrdreg s24  }
0xb0: {  	[dreg:$0x3] =	wrdreg s2  }
0xb1: {  	[dreg:$0x4] =	wrdreg s18  }
0xb2: {  	[dreg:$0x5] =	wrdreg $0x2000  }
0xb3: {  	[dreg:$0x6] =	wrdreg $0x9  }
0xb4: {  	_ =	task.clear_ibuf [dreg:s8], $0x7FFFF;
	_ =	strace $0x90000046  }
0xb5: {  	s29 =	simm.s32 $0x9;
	_ =	strace $0x80000048  }
0xb6: {  	_ =	swait.ge [sflag:s29], $0x1  }
0xb7: {  	[sflag:s29] =	ssyncadd.s32 $0xFFFFFFFF  }
0xb8: {  	_ =	strace $0x90000048  }
0xb9: {  	_ =	sfence  }
0xba: {  	s30 =	sld [smem:$0x0];
	_ =	sdelay $0x2  }
0xbb: {  	s31 =	sshll.u32 s1, $0xD;
	s1 =	sshrl.u32 s1, $0x2  }
0xbc: {  	s3 =	sand.u32 $0x4000, s31;
	s1 =	sadd.s32 s1, s30  }
0xbd: {  	s0 =	sor.u32 s3, s0;
	s1 =	sshll.u32 s1, $0x11  }
0xbe: {  	s0 =	sor.u32 s1, s0  }
0xbf: {  	s0 =	sadd.s32 $0x8F2B, s0  }
0xc0: {  	[sflag:s0] =	ssyncadd.remote.s32 $0x1  }
0xc1: {  	_ =	sfence.sel $0xFFFF  }
0xc2: {  	[dreg:$0x0] =	wrdreg $0xFFFFFFFF;
	(pc) =	sbr.abs _section_cstart, $3  }
0xc3: {  	[dreg:$0x1] =	wrdreg $0xFFFFFFFF  }
0xc4: {  	_ =	task.clear_ibuf [dreg:s8], $0x2FFFF;
	_ =	strace $0x9FFFFFFF  }
0xc5: {  	(tm) =	ssettm $0x7FFFFFFF  }
tec
execute0_lowered:
.L_overlay_start_1:
0x0: {  	(tag) =	ssettag $0x1  }
0x1: {  	s0 =	rddreg [dreg:$0x0]  }
0x2: {  	s20 =	rddreg [dreg:$0x1]  }
0x3: {  	s1 =	rddreg [dreg:$0x2];
	s3 =	srdreg.scid  }
0x4: {  	s4 =	rddreg [dreg:$0x3];
	s12 =	stileid.u32  }
0x5: {  	s28 =	simm.s32 $0xC200;
	s29 =	simm.s32 $0xCA00;
	s31 =	simm.s32 $0xD200  }
0x6: {  	s30 =	simm.s32 $0x12A00;
	s5 =	sand.u32 $0x1, s3;
	s6 =	sshll.u32 s12, $0xA  }
0x7: {  	s3 =	simm.s32 $0x0;
	s8 =	sadd.s32 $0x400, s20;
	s9 =	sadd.s32 $0x500, s20  }
0x8: {  	s10 =	sadd.s32 $0x600, s20;
	s11 =	sadd.s32 $0x700, s20;
	s19 =	smul.u32 $0x24000, s12  }
0x9: {  	s12 =	sadd.s32 $0x800, s20;
	s7 =	sshll.u32 s5, $0x9;
	s5 =	ssub.s32 $0x2, s5  }
0xa: {  	[smem:$0x7FF] =	sst s3;
	s13 =	sor.u32 s7, s6;
	s18 =	sshrl.u32 s5, $0x1  }
0xb: {  	_ =	strace $0x80000047;
	s6 =	sadd.s32 $0x200, s20;
	s7 =	sadd.s32 $0x300, s20  }
0xc: {  	s14 =	sshrl.u32 s13, $0x3;
	s15 =	ssub.s32 s5, s18;
	s5 =	sadd.s32 $0x100, s20  }
0xd: {  	s13 =	sor.u32 $0x20, s13;
	s18 =	simm.s32 $0x2;
	s16 =	smul.u32 $0x4800, s14  }
0xe: {  	s0 =	sadd.s32 s14, s0;
	s17 =	smul.u32 $0x900, s14;
	s21 =	sshrl.u32 s13, $0x3  }
0xf: {  	s26 =	smax.u32 s15, $0x1;
	s13 =	simm.s32 $0x0;
	s0 =	sadd.s32 $0x400, s0  }
0x10: {  	s23 =	smul.u32 $0x900, s21;
	[dreg:$0xa] =	wrdreg s26;
	s21 =	simm.s32 $0x9A00  }
0x11: {  	s26 =	simm.s32 $0xBA00;
	[dreg:$0x6] =	wrdreg s0;
	s0 =	sshrl.u32 s19, $0x2  }
0x12: {  	s22 =	sshrl.u32 s16, $0x3;
	s17 =	sadd.s32 s17, s1;
	s16 =	simm.s32 $0xAA00  }
0x13: {  	s19 =	simm.s32 $0xA;
	s2 =	sadd.s32 s0, s4;
	s0 =	sadd.s32 s1, s22  }
0x14: {  	s1 =	sadd.s32 s23, s1;
	s4 =	simm.s32 $0x9200;
	[dreg:$0xb] =	wrdreg s2  }
0x15: {  	s23 =	simm.s32 $0x12200;
	s24 =	sadd.s32 $0x22500, s0;
	[dreg:$0x5] =	wrdreg s1  }
0x16: {  	s22 =	simm.s32 $0x16A00;
	s25 =	sadd.s32 $0x22E00, s0;
	[dreg:$0x7] =	wrdreg s24  }
0x17: {  	v0 =	vlaneseq.u32;
	s14 =	sadd.s32 $0x4800, s2;
	s0 =	sadd.s32 $0x23700, s0;
	[dreg:$0x8] =	wrdreg s25  }
0x18: {  	v1 =	vshrl.u32 v0, $0x3;
	s2 =	simm.s32 $0xA200;
	s1 =	simm.s32 $0x2;
	[dreg:$0x9] =	wrdreg s0  }
0x19: {  	vm0 =	vmmov $0xffff;
	v0 =	vand.u32 $0x7, v0;
	v1 =	vmul.u32 $0x8, v1;
	s25 =	simm.s32 $0xB200;
	s0 =	simm.s32 $0x9;
	s24 =	simm.s32 $0x3  }
.LBB2_1:
0x1a: {  	[dreg:$0xc] =	wrdreg s13  }
0x1b: {  	s15 =	rddreg [dreg:$0x6];
	s13 =	simm.s32 $0xB  }
0x1c: {  	[tilespmem:s3], [sflag:$0xB] =	stream.linear.gather [hbm4b:s15+s3], $0x200, $0x38;
	[tilespmem:$0x1B200] =	vst v63  }
0x1d: {  	_ =	swait.ge [sflag:s13], $0x200  }
0x1e: {  	[sflag:s13] =	ssyncset.done $0x0  }
0x1f: {  	[sflag:s13] =	ssyncadd.s32 $0xFFFFFE00  }
0x20: {  	v2 =	vld.msk [tilespmem:$0x0], $0xff;
	_ =	sdelay $0x4  }
0x21: {  	v3 =	vshrl.u32 v2, $0x3  }
0x22: {  	v3 =	vmul.u32 $0x90, v3  }
0x23: {  	v2 =	vand.u32 $0x7, v2  }
0x24: {  	v2 =	vor.u32 v2, v3  }
0x25: {  	v2 =	vperm.xlane v2, v0;
	_ =	sdelay $0x1  }
0x26: {  	v2 =	vadd.s32 v1, v2;
	_ =	sdelay $0x4  }
0x27: {  	[tilespmem:s4], [sflag:$0x1] =	stream.indirect_vreg.gather [hbm4b:s20+s3], $0x80, v2, vm0, $0xb8;
	[tilespmem:$0x1B200] =	vst v63  }
0x28: {  	_ = 	snop  }
0x29: {  	[tilespmem:s21], [sflag:$0x1] =	stream.indirect_vreg.gather [hbm4b:s5+s3], $0x80, v2, vm0, $0xb8;
	[tilespmem:$0x1B200] =	vst v63  }
0x2a: {  	_ = 	snop  }
0x2b: {  	[tilespmem:s2], [sflag:$0x1] =	stream.indirect_vreg.gather [hbm4b:s6+s3], $0x80, v2, vm0, $0xb8;
	[tilespmem:$0x1B200] =	vst v63  }
0x2c: {  	_ = 	snop  }
0x2d: {  	[tilespmem:s16], [sflag:$0x1] =	stream.indirect_vreg.gather [hbm4b:s7+s3], $0x80, v2, vm0, $0xb8;
	[tilespmem:$0x1B200] =	vst v63  }
0x2e: {  	_ = 	snop  }
0x2f: {  	[tilespmem:s25], [sflag:$0x1] =	stream.indirect_vreg.gather [hbm4b:s8+s3], $0x80, v2, vm0, $0xb8;
	[tilespmem:$0x1B200] =	vst v63  }
0x30: {  	_ = 	snop  }
0x31: {  	[tilespmem:s26], [sflag:$0x1] =	stream.indirect_vreg.gather [hbm4b:s9+s3], $0x80, v2, vm0, $0xb8;
	[tilespmem:$0x1B200] =	vst v63  }
0x32: {  	_ = 	snop  }
0x33: {  	[tilespmem:s28], [sflag:$0x1] =	stream.indirect_vreg.gather [hbm4b:s10+s3], $0x80, v2, vm0, $0xb8;
	[tilespmem:$0x1B200] =	vst v63  }
0x34: {  	_ = 	snop  }
0x35: {  	[tilespmem:s29], [sflag:$0x1] =	stream.indirect_vreg.gather [hbm4b:s11+s3], $0x80, v2, vm0, $0xb8;
	[tilespmem:$0x1B200] =	vst v63  }
0x36: {  	_ = 	snop  }
0x37: {  	[tilespmem:s31], [sflag:$0x1] =	stream.indirect_vreg.gather [hbm4b:s12+s3], $0x80, v2, vm0, $0xb8;
	[tilespmem:$0x1B200] =	vst v63  }
0x38: {  	v2 =	vld.msk [tilespmem:$0x8], $0xff;
	_ =	sdelay $0x4  }
0x39: {  	v3 =	vshrl.u32 v2, $0x3  }
0x3a: {  	v3 =	vmul.u32 $0x90, v3  }
0x3b: {  	v2 =	vand.u32 $0x7, v2  }
0x3c: {  	v2 =	vor.u32 v2, v3  }
0x3d: {  	v2 =	vperm.xlane v2, v0;
	_ =	sdelay $0x1  }
0x3e: {  	v2 =	vadd.s32 v1, v2;
	_ =	sdelay $0x3  }
0x3f: {  	s13 =	simm.s32 $0xDA00  }
0x40: {  	[tilespmem:s13], [sflag:$0x2] =	stream.indirect_vreg.gather [hbm4b:s20+s3], $0x80, v2, vm0, $0xb8;
	[tilespmem:$0x1B200] =	vst v63  }
0x41: {  	s25 =	simm.s32 $0xE200  }
0x42: {  	[tilespmem:s25], [sflag:$0x2] =	stream.indirect_vreg.gather [hbm4b:s5+s3], $0x80, v2, vm0, $0xb8;
	[tilespmem:$0x1B200] =	vst v63  }
0x43: {  	s26 =	simm.s32 $0xEA00  }
0x44: {  	[tilespmem:s26], [sflag:$0x2] =	stream.indirect_vreg.gather [hbm4b:s6+s3], $0x80, v2, vm0, $0xb8;
	[tilespmem:$0x1B200] =	vst v63  }
0x45: {  	s29 =	simm.s32 $0xF200  }
0x46: {  	[tilespmem:s29], [sflag:$0x2] =	stream.indirect_vreg.gather [hbm4b:s7+s3], $0x80, v2, vm0, $0xb8;
	[tilespmem:$0x1B200] =	vst v63  }
0x47: {  	s15 =	simm.s32 $0xFA00  }
0x48: {  	[tilespmem:s15], [sflag:$0x2] =	stream.indirect_vreg.gather [hbm4b:s8+s3], $0x80, v2, vm0, $0xb8;
	[tilespmem:$0x1B200] =	vst v63  }
0x49: {  	s16 =	simm.s32 $0x10200  }
0x4a: {  	[tilespmem:s16], [sflag:$0x2] =	stream.indirect_vreg.gather [hbm4b:s9+s3], $0x80, v2, vm0, $0xb8;
	[tilespmem:$0x1B200] =	vst v63  }
0x4b: {  	s21 =	simm.s32 $0x10A00  }
0x4c: {  	[tilespmem:s21], [sflag:$0x2] =	stream.indirect_vreg.gather [hbm4b:s10+s3], $0x80, v2, vm0, $0xb8;
	[tilespmem:$0x1B200] =	vst v63  }
0x4d: {  	s25 =	simm.s32 $0x11200  }
0x4e: {  	[tilespmem:s25], [sflag:$0x2] =	stream.indirect_vreg.gather [hbm4b:s11+s3], $0x80, v2, vm0, $0xb8;
	[tilespmem:$0x1B200] =	vst v63  }
0x4f: {  	s26 =	simm.s32 $0x11A00;
	s29 =	simm.s32 $0x1  }
0x50: {  	[tilespmem:s26], [sflag:$0x2] =	stream.indirect_vreg.gather [hbm4b:s12+s3], $0x80, v2, vm0, $0xb8;
	[tilespmem:$0x1B200] =	vst v63  }
0x51: {  	_ =	swait.ge [sflag:s29], $0x4800  }
0x52: {  	[sflag:s29] =	ssyncset.done $0x0  }
0x53: {  	s2 =	rddreg [dreg:$0xb];
	[sflag:s29] =	ssyncadd.s32 $0xFFFFB800  }
0x54: {  	[spmem:s2] =	stream.linear.scatter [tilespmem:s4], [sflag:$0x5], $0x4800, $0x38;
	[tilespmem:$0x1B200] =	vst v63  }
0x55: {  	v2 =	vld.msk [tilespmem:$0x10], $0xff;
	_ =	sdelay $0x4  }
0x56: {  	v3 =	vshrl.u32 v2, $0x3  }
0x57: {  	v3 =	vmul.u32 $0x90, v3  }
0x58: {  	v2 =	vand.u32 $0x7, v2  }
0x59: {  	v2 =	vor.u32 v2, v3  }
0x5a: {  	v2 =	vperm.xlane v2, v0;
	_ =	sdelay $0x1  }
0x5b: {  	v2 =	vadd.s32 v1, v2;
	_ =	sdelay $0x4  }
0x5c: {  	[tilespmem:s23], [sflag:$0x3] =	stream.indirect_vreg.gather [hbm4b:s20+s3], $0x80, v2, vm0, $0xb8;
	[tilespmem:$0x1B200] =	vst v63  }
0x5d: {  	_ = 	snop  }
0x5e: {  	[tilespmem:s30], [sflag:$0x3] =	stream.indirect_vreg.gather [hbm4b:s5+s3], $0x80, v2, vm0, $0xb8;
	[tilespmem:$0x1B200] =	vst v63  }
0x5f: {  	s30 =	simm.s32 $0x13200  }
0x60: {  	[tilespmem:s30], [sflag:$0x3] =	stream.indirect_vreg.gather [hbm4b:s6+s3], $0x80, v2, vm0, $0xb8;
	[tilespmem:$0x1B200] =	vst v63  }
0x61: {  	s15 =	simm.s32 $0x13A00  }
0x62: {  	[tilespmem:s15], [sflag:$0x3] =	stream.indirect_vreg.gather [hbm4b:s7+s3], $0x80, v2, vm0, $0xb8;
	[tilespmem:$0x1B200] =	vst v63  }
0x63: {  	s16 =	simm.s32 $0x14200  }
0x64: {  	[tilespmem:s16], [sflag:$0x3] =	stream.indirect_vreg.gather [hbm4b:s8+s3], $0x80, v2, vm0, $0xb8;
	[tilespmem:$0x1B200] =	vst v63  }
0x65: {  	s21 =	simm.s32 $0x14A00  }
0x66: {  	[tilespmem:s21], [sflag:$0x3] =	stream.indirect_vreg.gather [hbm4b:s9+s3], $0x80, v2, vm0, $0xb8;
	[tilespmem:$0x1B200] =	vst v63  }
0x67: {  	s23 =	simm.s32 $0x15200  }
0x68: {  	[tilespmem:s23], [sflag:$0x3] =	stream.indirect_vreg.gather [hbm4b:s10+s3], $0x80, v2, vm0, $0xb8;
	[tilespmem:$0x1B200] =	vst v63  }
0x69: {  	s25 =	simm.s32 $0x15A00  }
0x6a: {  	[tilespmem:s25], [sflag:$0x3] =	stream.indirect_vreg.gather [hbm4b:s11+s3], $0x80, v2, vm0, $0xb8;
	[tilespmem:$0x1B200] =	vst v63  }
0x6b: {  	s26 =	simm.s32 $0x16200  }
0x6c: {  	[tilespmem:s26], [sflag:$0x3] =	stream.indirect_vreg.gather [hbm4b:s12+s3], $0x80, v2, vm0, $0xb8;
	[tilespmem:$0x1B200] =	vst v63  }
0x6d: {  	_ =	swait.ge [sflag:s1], $0x4800  }
0x6e: {  	[sflag:s1] =	ssyncset.done $0x0  }
0x6f: {  	s29 =	stileid.u32;
	[sflag:s1] =	ssyncadd.s32 $0xFFFFB800;
	s1 =	simm.s32 $0x5  }
0x70: {  	[spmem:s14] =	stream.linear.scatter [tilespmem:s13], [sflag:$0x6], $0x4800, $0x38;
	[tilespmem:$0x1B200] =	vst v63  }
0x71: {  	s30 =	sshll.u32 s29, $0x6;
	_ =	swait.ge [sflag:s1], $0x4800  }
0x72: {  	s25 =	sor.u32 $0x1C09, s30;
	[sflag:s1] =	ssyncset.done $0x0  }
0x73: {  	s26 =	sshrl.u32 s2, $0x3;
	[dreg:$0xd] =	wrdreg s30;
	[sflag:s1] =	ssyncadd.s32 $0xFFFFB800  }
0x74: {  	[hbm:s17], [sflag:s25] =	dma.local [spmem:s26], $0x900  }
0x75: {  	v2 =	vld.msk [tilespmem:$0x18], $0xff;
	_ =	sdelay $0x4  }
0x76: {  	v3 =	vshrl.u32 v2, $0x3  }
0x77: {  	v3 =	vmul.u32 $0x90, v3  }
0x78: {  	v2 =	vand.u32 $0x7, v2  }
0x79: {  	v2 =	vor.u32 v2, v3  }
0x7a: {  	v2 =	vperm.xlane v2, v0;
	_ =	sdelay $0x1  }
0x7b: {  	v2 =	vadd.s32 v1, v2;
	_ =	sdelay $0x4  }
0x7c: {  	[tilespmem:s22], [sflag:$0x4] =	stream.indirect_vreg.gather [hbm4b:s20+s3], $0x80, v2, vm0, $0xb8;
	[tilespmem:$0x1B200] =	vst v63  }
0x7d: {  	s13 =	simm.s32 $0x17200  }
0x7e: {  	[tilespmem:s13], [sflag:$0x4] =	stream.indirect_vreg.gather [hbm4b:s5+s3], $0x80, v2, vm0, $0xb8;
	[tilespmem:$0x1B200] =	vst v63  }
0x7f: {  	s15 =	simm.s32 $0x17A00  }
0x80: {  	[tilespmem:s15], [sflag:$0x4] =	stream.indirect_vreg.gather [hbm4b:s6+s3], $0x80, v2, vm0, $0xb8;
	[tilespmem:$0x1B200] =	vst v63  }
0x81: {  	s16 =	simm.s32 $0x18200  }
0x82: {  	[tilespmem:s16], [sflag:$0x4] =	stream.indirect_vreg.gather [hbm4b:s7+s3], $0x80, v2, vm0, $0xb8;
	[tilespmem:$0x1B200] =	vst v63  }
0x83: {  	s21 =	simm.s32 $0x18A00  }
0x84: {  	[tilespmem:s21], [sflag:$0x4] =	stream.indirect_vreg.gather [hbm4b:s8+s3], $0x80, v2, vm0, $0xb8;
	[tilespmem:$0x1B200] =	vst v63  }
0x85: {  	s22 =	simm.s32 $0x19200  }
0x86: {  	[tilespmem:s22], [sflag:$0x4] =	stream.indirect_vreg.gather [hbm4b:s9+s3], $0x80, v2, vm0, $0xb8;
	[tilespmem:$0x1B200] =	vst v63  }
0x87: {  	s23 =	simm.s32 $0x19A00  }
0x88: {  	[tilespmem:s23], [sflag:$0x4] =	stream.indirect_vreg.gather [hbm4b:s10+s3], $0x80, v2, vm0, $0xb8;
	[tilespmem:$0x1B200] =	vst v63  }
0x89: {  	s28 =	simm.s32 $0x6;
	s29 =	simm.s32 $0x1A200  }
0x8a: {  	[tilespmem:s29], [sflag:$0x4] =	stream.indirect_vreg.gather [hbm4b:s11+s3], $0x80, v2, vm0, $0xb8;
	[tilespmem:$0x1B200] =	vst v63  }
0x8b: {  	s31 =	simm.s32 $0x0;
	s30 =	simm.s32 $0x1AA00;
	s21 =	simm.s32 $0x38  }
0x8c: {  	[tilespmem:s30], [sflag:$0x4] =	stream.indirect_vreg.gather [hbm4b:s12+s3], $0x80, v2, vm0, $0xb8;
	[tilespmem:$0x1B200] =	vst v63  }
.LBB2_2:
0x8d: {  	_ =	swait.ge [sflag:s24], $0x4800  }
0x8e: {  	[sflag:s24] =	ssyncset.done $0x0  }
0x8f: {  	[sflag:s24] =	ssyncadd.s32 $0xFFFFB800  }
0x90: {  	_ =	swait.ge [sflag:s0], $0x900  }
0x91: {  	[sflag:s0] =	ssyncset.done $0x0  }
0x92: {  	s30 =	simm.s32 $0x12200;
	s4 =	rddreg [dreg:$0xb];
	[sflag:s0] =	ssyncadd.s32 $0xFFFFF700  }
0x93: {  	[spmem:s4] =	stream.linear.scatter [tilespmem:s30], [sflag:$0x7], $0x4800, $0x38;
	[tilespmem:$0x1B200] =	vst v63  }
0x94: {  	s23 =	sadd.s32 s31, s17;
	_ =	swait.ge [sflag:s28], $0x4800  }
0x95: {  	s15 =	sshrl.u32 s14, $0x3;
	[sflag:s28] =	ssyncset.done $0x0;
	s2 =	rddreg [dreg:$0xd]  }
0x96: {  	s16 =	sadd.s32 $0x900, s23;
	[sflag:s28] =	ssyncadd.s32 $0xFFFFB800;
	s29 =	sor.u32 $0x1C0A, s2  }
0x97: {  	[hbm:s16], [sflag:s29] =	dma.local [spmem:s15], $0x900  }
0x98: {  	v2 =	vld.msk [tilespmem:s21+$0xFFFFFFE8], $0xff;
	_ =	sdelay $0x4  }
0x99: {  	v3 =	vshrl.u32 v2, $0x3  }
0x9a: {  	v3 =	vmul.u32 $0x90, v3  }
0x9b: {  	v2 =	vand.u32 $0x7, v2  }
0x9c: {  	v2 =	vor.u32 v2, v3  }
0x9d: {  	v2 =	vperm.xlane v2, v0;
	_ =	sdelay $0x1  }
0x9e: {  	v2 =	vadd.s32 v1, v2;
	_ =	sdelay $0x3  }
0x9f: {  	s13 =	simm.s32 $0x9200  }
0xa0: {  	[tilespmem:s13], [sflag:$0x1] =	stream.indirect_vreg.gather [hbm4b:s20+s3], $0x80, v2, vm0, $0xb8;
	[tilespmem:$0x1B200] =	vst v63  }
0xa1: {  	s22 =	smov.u32 s17;
	s17 =	simm.s32 $0x9A00  }
0xa2: {  	[tilespmem:s17], [sflag:$0x1] =	stream.indirect_vreg.gather [hbm4b:s5+s3], $0x80, v2, vm0, $0xb8;
	[tilespmem:$0x1B200] =	vst v63  }
0xa3: {  	s16 =	simm.s32 $0xA200  }
0xa4: {  	[tilespmem:s16], [sflag:$0x1] =	stream.indirect_vreg.gather [hbm4b:s6+s3], $0x80, v2, vm0, $0xb8;
	[tilespmem:$0x1B200] =	vst v63  }
0xa5: {  	s17 =	simm.s32 $0xAA00  }
0xa6: {  	[tilespmem:s17], [sflag:$0x1] =	stream.indirect_vreg.gather [hbm4b:s7+s3], $0x80, v2, vm0, $0xb8;
	[tilespmem:$0x1B200] =	vst v63  }
0xa7: {  	s16 =	simm.s32 $0xB200  }
0xa8: {  	[tilespmem:s16], [sflag:$0x1] =	stream.indirect_vreg.gather [hbm4b:s8+s3], $0x80, v2, vm0, $0xb8;
	[tilespmem:$0x1B200] =	vst v63  }
0xa9: {  	s17 =	simm.s32 $0xBA00  }
0xaa: {  	[tilespmem:s17], [sflag:$0x1] =	stream.indirect_vreg.gather [hbm4b:s9+s3], $0x80, v2, vm0, $0xb8;
	[tilespmem:$0x1B200] =	vst v63  }
0xab: {  	s16 =	simm.s32 $0xC200  }
0xac: {  	[tilespmem:s16], [sflag:$0x1] =	stream.indirect_vreg.gather [hbm4b:s10+s3], $0x80, v2, vm0, $0xb8;
	[tilespmem:$0x1B200] =	vst v63  }
0xad: {  	s17 =	simm.s32 $0xCA00  }
0xae: {  	[tilespmem:s17], [sflag:$0x1] =	stream.indirect_vreg.gather [hbm4b:s11+s3], $0x80, v2, vm0, $0xb8;
	[tilespmem:$0x1B200] =	vst v63  }
0xaf: {  	s16 =	simm.s32 $0xD200;
	s17 =	simm.s32 $0x4  }
0xb0: {  	[tilespmem:s16], [sflag:$0x1] =	stream.indirect_vreg.gather [hbm4b:s12+s3], $0x80, v2, vm0, $0xb8;
	[tilespmem:$0x1B200] =	vst v63  }
0xb1: {  	_ =	swait.ge [sflag:s17], $0x4800  }
0xb2: {  	[sflag:s17] =	ssyncset.done $0x0  }
0xb3: {  	[sflag:s17] =	ssyncadd.s32 $0xFFFFB800  }
0xb4: {  	_ =	swait.ge [sflag:s19], $0x900  }
0xb5: {  	[sflag:s19] =	ssyncset.done $0x0  }
0xb6: {  	s2 =	simm.s32 $0x16A00;
	s16 =	simm.s32 $0x7;
	[sflag:s19] =	ssyncadd.s32 $0xFFFFF700  }
0xb7: {  	[spmem:s14] =	stream.linear.scatter [tilespmem:s2], [sflag:$0x8], $0x4800, $0x38;
	[tilespmem:$0x1B200] =	vst v63  }
0xb8: {  	_ =	swait.ge [sflag:s16], $0x4800  }
0xb9: {  	[sflag:s16] =	ssyncset.done $0x0  }
0xba: {  	[sflag:s16] =	ssyncadd.s32 $0xFFFFB800;
	s16 =	sadd.s32 $0x1200, s23  }
0xbb: {  	[hbm:s16], [sflag:s25] =	dma.local [spmem:s26], $0x900  }
0xbc: {  	v2 =	vld.msk [tilespmem:s21+$0xFFFFFFF0], $0xff;
	_ =	sdelay $0x4  }
0xbd: {  	v3 =	vshrl.u32 v2, $0x3  }
0xbe: {  	v3 =	vmul.u32 $0x90, v3  }
0xbf: {  	v2 =	vand.u32 $0x7, v2  }
0xc0: {  	v2 =	vor.u32 v2, v3  }
0xc1: {  	v2 =	vperm.xlane v2, v0;
	_ =	sdelay $0x1  }
0xc2: {  	v2 =	vadd.s32 v1, v2;
	_ =	sdelay $0x3  }
0xc3: {  	s16 =	simm.s32 $0xDA00  }
0xc4: {  	[tilespmem:s16], [sflag:$0x2] =	stream.indirect_vreg.gather [hbm4b:s20+s3], $0x80, v2, vm0, $0xb8;
	[tilespmem:$0x1B200] =	vst v63  }
0xc5: {  	s17 =	simm.s32 $0xE200  }
0xc6: {  	[tilespmem:s17], [sflag:$0x2] =	stream.indirect_vreg.gather [hbm4b:s5+s3], $0x80, v2, vm0, $0xb8;
	[tilespmem:$0x1B200] =	vst v63  }
0xc7: {  	s17 =	simm.s32 $0xEA00  }
0xc8: {  	[tilespmem:s17], [sflag:$0x2] =	stream.indirect_vreg.gather [hbm4b:s6+s3], $0x80, v2, vm0, $0xb8;
	[tilespmem:$0x1B200] =	vst v63  }
0xc9: {  	s17 =	simm.s32 $0xF200  }
0xca: {  	[tilespmem:s17], [sflag:$0x2] =	stream.indirect_vreg.gather [hbm4b:s7+s3], $0x80, v2, vm0, $0xb8;
	[tilespmem:$0x1B200] =	vst v63  }
0xcb: {  	s17 =	simm.s32 $0xFA00  }
0xcc: {  	[tilespmem:s17], [sflag:$0x2] =	stream.indirect_vreg.gather [hbm4b:s8+s3], $0x80, v2, vm0, $0xb8;
	[tilespmem:$0x1B200] =	vst v63  }
0xcd: {  	s17 =	simm.s32 $0x10200  }
0xce: {  	[tilespmem:s17], [sflag:$0x2] =	stream.indirect_vreg.gather [hbm4b:s9+s3], $0x80, v2, vm0, $0xb8;
	[tilespmem:$0x1B200] =	vst v63  }
0xcf: {  	s17 =	simm.s32 $0x10A00  }
0xd0: {  	[tilespmem:s17], [sflag:$0x2] =	stream.indirect_vreg.gather [hbm4b:s10+s3], $0x80, v2, vm0, $0xb8;
	[tilespmem:$0x1B200] =	vst v63  }
0xd1: {  	s17 =	simm.s32 $0x11200  }
0xd2: {  	[tilespmem:s17], [sflag:$0x2] =	stream.indirect_vreg.gather [hbm4b:s11+s3], $0x80, v2, vm0, $0xb8;
	[tilespmem:$0x1B200] =	vst v63  }
0xd3: {  	s17 =	simm.s32 $0x11A00  }
0xd4: {  	[tilespmem:s17], [sflag:$0x2] =	stream.indirect_vreg.gather [hbm4b:s12+s3], $0x80, v2, vm0, $0xb8;
	[tilespmem:$0x1B200] =	vst v63  }
0xd5: {  	s17 =	simm.s32 $0x1  }
0xd6: {  	_ =	swait.ge [sflag:s17], $0x4800  }
0xd7: {  	[sflag:s17] =	ssyncset.done $0x0  }
0xd8: {  	[sflag:s17] =	ssyncadd.s32 $0xFFFFB800  }
0xd9: {  	_ =	swait.ge [sflag:s0], $0x900  }
0xda: {  	[sflag:s0] =	ssyncset.done $0x0  }
0xdb: {  	s17 =	simm.s32 $0x8;
	[sflag:s0] =	ssyncadd.s32 $0xFFFFF700  }
0xdc: {  	[spmem:s4] =	stream.linear.scatter [tilespmem:s13], [sflag:$0x5], $0x4800, $0x38;
	[tilespmem:$0x1B200] =	vst v63  }
0xdd: {  	_ =	swait.ge [sflag:s17], $0x4800  }
0xde: {  	[sflag:s17] =	ssyncset.done $0x0  }
0xdf: {  	s13 =	sadd.s32 $0x1B00, s23;
	[sflag:s17] =	ssyncadd.s32 $0xFFFFB800  }
0xe0: {  	[hbm:s13], [sflag:s29] =	dma.local [spmem:s15], $0x900  }
0xe1: {  	v2 =	vld.msk [tilespmem:s21+$0xFFFFFFF8], $0xff;
	_ =	sdelay $0x4  }
0xe2: {  	v3 =	vshrl.u32 v2, $0x3  }
0xe3: {  	v3 =	vmul.u32 $0x90, v3  }
0xe4: {  	v2 =	vand.u32 $0x7, v2  }
0xe5: {  	v2 =	vor.u32 v2, v3  }
0xe6: {  	v2 =	vperm.xlane v2, v0;
	_ =	sdelay $0x1  }
0xe7: {  	v2 =	vadd.s32 v1, v2;
	_ =	sdelay $0x4  }
0xe8: {  	[tilespmem:s30], [sflag:$0x3] =	stream.indirect_vreg.gather [hbm4b:s20+s3], $0x80, v2, vm0, $0xb8;
	[tilespmem:$0x1B200] =	vst v63  }
0xe9: {  	s30 =	simm.s32 $0x12A00  }
0xea: {  	[tilespmem:s30], [sflag:$0x3] =	stream.indirect_vreg.gather [hbm4b:s5+s3], $0x80, v2, vm0, $0xb8;
	[tilespmem:$0x1B200] =	vst v63  }
0xeb: {  	s17 =	simm.s32 $0x13200  }
0xec: {  	[tilespmem:s17], [sflag:$0x3] =	stream.indirect_vreg.gather [hbm4b:s6+s3], $0x80, v2, vm0, $0xb8;
	[tilespmem:$0x1B200] =	vst v63  }
0xed: {  	s13 =	simm.s32 $0x13A00  }
0xee: {  	[tilespmem:s13], [sflag:$0x3] =	stream.indirect_vreg.gather [hbm4b:s7+s3], $0x80, v2, vm0, $0xb8;
	[tilespmem:$0x1B200] =	vst v63  }
0xef: {  	s17 =	simm.s32 $0x14200  }
0xf0: {  	[tilespmem:s17], [sflag:$0x3] =	stream.indirect_vreg.gather [hbm4b:s8+s3], $0x80, v2, vm0, $0xb8;
	[tilespmem:$0x1B200] =	vst v63  }
0xf1: {  	s13 =	simm.s32 $0x14A00  }
0xf2: {  	[tilespmem:s13], [sflag:$0x3] =	stream.indirect_vreg.gather [hbm4b:s9+s3], $0x80, v2, vm0, $0xb8;
	[tilespmem:$0x1B200] =	vst v63  }
0xf3: {  	s17 =	simm.s32 $0x15200  }
0xf4: {  	[tilespmem:s17], [sflag:$0x3] =	stream.indirect_vreg.gather [hbm4b:s10+s3], $0x80, v2, vm0, $0xb8;
	[tilespmem:$0x1B200] =	vst v63  }
0xf5: {  	s13 =	simm.s32 $0x15A00  }
0xf6: {  	[tilespmem:s13], [sflag:$0x3] =	stream.indirect_vreg.gather [hbm4b:s11+s3], $0x80, v2, vm0, $0xb8;
	[tilespmem:$0x1B200] =	vst v63  }
0xf7: {  	s17 =	simm.s32 $0x16200  }
0xf8: {  	[tilespmem:s17], [sflag:$0x3] =	stream.indirect_vreg.gather [hbm4b:s12+s3], $0x80, v2, vm0, $0xb8;
	[tilespmem:$0x1B200] =	vst v63  }
0xf9: {  	_ =	swait.ge [sflag:s18], $0x4800  }
0xfa: {  	[sflag:s18] =	ssyncset.done $0x0  }
0xfb: {  	[sflag:s18] =	ssyncadd.s32 $0xFFFFB800  }
0xfc: {  	_ =	swait.ge [sflag:s19], $0x900  }
0xfd: {  	[sflag:s19] =	ssyncset.done $0x0  }
0xfe: {  	[sflag:s19] =	ssyncadd.s32 $0xFFFFF700  }
0xff: {  	[spmem:s14] =	stream.linear.scatter [tilespmem:s16], [sflag:$0x6], $0x4800, $0x38;
	[tilespmem:$0x1B200] =	vst v63  }
0x100: {  	_ =	swait.ge [sflag:s1], $0x4800  }
0x101: {  	s4 =	rddreg [dreg:$0x5];
	[sflag:s1] =	ssyncset.done $0x0  }
0x102: {  	[sflag:s1] =	ssyncadd.s32 $0xFFFFB800;
	s17 =	sadd.s32 s31, s4  }
0x103: {  	[hbm:s17], [sflag:s25] =	dma.local [spmem:s26], $0x900  }
0x104: {  	v2 =	vld.msk [tilespmem:s21+$0x0], $0xff;
	_ =	sdelay $0x4  }
0x105: {  	v3 =	vshrl.u32 v2, $0x3  }
0x106: {  	v3 =	vmul.u32 $0x90, v3  }
0x107: {  	v2 =	vand.u32 $0x7, v2  }
0x108: {  	v2 =	vor.u32 v2, v3  }
0x109: {  	v2 =	vperm.xlane v2, v0;
	_ =	sdelay $0x1  }
0x10a: {  	v2 =	vadd.s32 v1, v2;
	_ =	sdelay $0x4  }
0x10b: {  	[tilespmem:s2], [sflag:$0x4] =	stream.indirect_vreg.gather [hbm4b:s20+s3], $0x80, v2, vm0, $0xb8;
	[tilespmem:$0x1B200] =	vst v63  }
0x10c: {  	s13 =	simm.s32 $0x17200  }
0x10d: {  	[tilespmem:s13], [sflag:$0x4] =	stream.indirect_vreg.gather [hbm4b:s5+s3], $0x80, v2, vm0, $0xb8;
	[tilespmem:$0x1B200] =	vst v63  }
0x10e: {  	s16 =	simm.s32 $0x17A00  }
0x10f: {  	[tilespmem:s16], [sflag:$0x4] =	stream.indirect_vreg.gather [hbm4b:s6+s3], $0x80, v2, vm0, $0xb8;
	[tilespmem:$0x1B200] =	vst v63  }
0x110: {  	s4 =	simm.s32 $0x18200  }
0x111: {  	[tilespmem:s4], [sflag:$0x4] =	stream.indirect_vreg.gather [hbm4b:s7+s3], $0x80, v2, vm0, $0xb8;
	[tilespmem:$0x1B200] =	vst v63  }
0x112: {  	s13 =	simm.s32 $0x18A00  }
0x113: {  	[tilespmem:s13], [sflag:$0x4] =	stream.indirect_vreg.gather [hbm4b:s8+s3], $0x80, v2, vm0, $0xb8;
	[tilespmem:$0x1B200] =	vst v63  }
0x114: {  	s16 =	simm.s32 $0x19200  }
0x115: {  	[tilespmem:s16], [sflag:$0x4] =	stream.indirect_vreg.gather [hbm4b:s9+s3], $0x80, v2, vm0, $0xb8;
	[tilespmem:$0x1B200] =	vst v63  }
0x116: {  	p0 =	sne.s32 s31, $0x1F800;
	s4 =	simm.s32 $0x19A00  }
0x117: {  	[tilespmem:s4], [sflag:$0x4] =	stream.indirect_vreg.gather [hbm4b:s10+s3], $0x80, v2, vm0, $0xb8;
	[tilespmem:$0x1B200] =	vst v63  }
.Ltmp0:
0x118: {  	s23 =	simm.s32 $0x12200;
	(pc) =	sbr.rel @p0 .LBB2_2-.Ltmp0, $4  }
0x119: {  	s31 =	sadd.s32 $0x2400, s31;
	s17 =	smov.u32 s22;
	s13 =	simm.s32 $0x1A200  }
0x11a: {  	[tilespmem:s13], [sflag:$0x4] =	stream.indirect_vreg.gather [hbm4b:s11+s3], $0x80, v2, vm0, $0xb8;
	[tilespmem:$0x1B200] =	vst v63  }
0x11b: {  	s22 =	simm.s32 $0x16A00;
	s21 =	sadd.s32 $0x20, s21;
	s16 =	simm.s32 $0x1AA00  }
0x11c: {  	[tilespmem:s16], [sflag:$0x4] =	stream.indirect_vreg.gather [hbm4b:s12+s3], $0x80, v2, vm0, $0xb8;
	[tilespmem:$0x1B200] =	vst v63  }
0x11d: {  	_ =	swait.ge [sflag:s24], $0x4800  }
0x11e: {  	[sflag:s24] =	ssyncset.done $0x0  }
0x11f: {  	[sflag:s24] =	ssyncadd.s32 $0xFFFFB800  }
0x120: {  	_ =	swait.ge [sflag:s0], $0x900  }
0x121: {  	[sflag:s0] =	ssyncset.done $0x0  }
0x122: {  	s1 =	rddreg [dreg:$0xb];
	[sflag:s0] =	ssyncadd.s32 $0xFFFFF700  }
0x123: {  	[spmem:s1] =	stream.linear.scatter [tilespmem:s23], [sflag:$0x7], $0x4800, $0x38;
	[tilespmem:$0x1B200] =	vst v63  }
0x124: {  	_ =	swait.ge [sflag:s28], $0x4800  }
0x125: {  	[sflag:s28] =	ssyncset.done $0x0  }
0x126: {  	s4 =	simm.s32 $0x4;
	s21 =	rddreg [dreg:$0x7];
	[sflag:s28] =	ssyncadd.s32 $0xFFFFB800  }
0x127: {  	[hbm:s21], [sflag:s29] =	dma.local [spmem:s15], $0x900  }
0x128: {  	_ =	swait.ge [sflag:s4], $0x4800  }
0x129: {  	[sflag:s4] =	ssyncset.done $0x0  }
0x12a: {  	[sflag:s4] =	ssyncadd.s32 $0xFFFFB800  }
0x12b: {  	_ =	swait.ge [sflag:s19], $0x900  }
0x12c: {  	[sflag:s19] =	ssyncset.done $0x0  }
0x12d: {  	s13 =	simm.s32 $0x7;
	[sflag:s19] =	ssyncadd.s32 $0xFFFFF700  }
0x12e: {  	[spmem:s14] =	stream.linear.scatter [tilespmem:s22], [sflag:$0x8], $0x4800, $0x38;
	[tilespmem:$0x1B200] =	vst v63  }
0x12f: {  	_ =	swait.ge [sflag:s13], $0x4800  }
0x130: {  	[sflag:s13] =	ssyncset.done $0x0  }
0x131: {  	s21 =	simm.s32 $0x8;
	s16 =	rddreg [dreg:$0x8];
	[sflag:s13] =	ssyncadd.s32 $0xFFFFB800  }
0x132: {  	[hbm:s16], [sflag:s25] =	dma.local [spmem:s26], $0x900  }
0x133: {  	_ =	swait.ge [sflag:s21], $0x4800  }
0x134: {  	[sflag:s21] =	ssyncset.done $0x0  }
0x135: {  	s25 =	rddreg [dreg:$0x9];
	[sflag:s21] =	ssyncadd.s32 $0xFFFFB800  }
0x136: {  	[hbm:s25], [sflag:s29] =	dma.local [spmem:s15], $0x900  }
0x137: {  	_ =	swait.ge [sflag:s0], $0x900  }
0x138: {  	[sflag:s0] =	ssyncset.done $0x0  }
0x139: {  	[sflag:s0] =	ssyncadd.s32 $0xFFFFF700  }
0x13a: {  	_ =	swait.ge [sflag:s19], $0x900  }
0x13b: {  	s13 =	rddreg [dreg:$0xc]  }
0x13c: {  	s26 =	rddreg [dreg:$0xa];
	s13 =	sadd.s32 $0x1, s13  }
0x13d: {  	p0 =	sne.s32 s13, s26  }
.Ltmp1:
0x13e: {  	_ = 	snop;
	(pc) =	sbr.rel @p0 .LBB2_1-.Ltmp1, $4  }
0x13f: {  	s2 =	simm.s32 $0xA200;
	s31 =	simm.s32 $0xD200;
	s1 =	simm.s32 $0x2  }
0x140: {  	s28 =	simm.s32 $0xC200;
	s4 =	simm.s32 $0x9200;
	s16 =	simm.s32 $0xAA00  }
0x141: {  	s21 =	simm.s32 $0x9A00;
	s25 =	simm.s32 $0xB200;
	[sflag:s19] =	ssyncset.done $0x0  }
0x142: {  	s29 =	simm.s32 $0xCA00;
	[sflag:s19] =	ssyncadd.s32 $0xFFFFF700;
	s26 =	simm.s32 $0xBA00  }
0x143: {  	_ =	sfence.sel $0x180000  }
0x144: {  	[bflag:$0x0] =	sbarrier.arrive $0xFFFF  }
0x145: {  	_ =	strace $0x90000047  }
0x146: {  	s0 =	stileid.u32;
	[bflag:$0x2] =	sbarrier.arrive $0xFFFF  }
0x147: {  	p0 =	sne.s32 s0, $0x0;
	s0 =	rddreg [dreg:$0x4]  }
0x148: {  	s0 =	sadd.s32 @!p0 $0x100000, s0  }
0x149: {  	[sflag:s0] =	ssyncadd.tile.s32 @!p0 $0x1;
	_ =	shalt  }
.Lfunc_end2:
_tile_overlayer_lowered:
.L_overlay_start_2:
0x14a: {  	(tag) =	ssettag $0x2  }
0x14b: {  	s0 =	rddreg [dreg:$0x0];
	s2 =	stileid.u32  }
0x14c: {  	s1 =	rddreg [dreg:$0x1];
	p0 =	sne.s32 s2, $0x0  }
0x14d: {  	s3 =	rddreg [dreg:$0x2];
	[bflag:$0x3] =	sbarrier.arrive $0xFFFF;
	s2 =	simm.s32 @!p0 $0x1C0B  }
0x14e: {  	[timem:s3], [sflag:s2] =	dma.local @!p0 [hbm:s0], s1  }
0x14f: {  	s0 =	simm.s32 @!p0 $0xB  }
0x150: {  	_ =	swait.ge @!p0 [sflag:s0], s1  }
0x151: {  	s1 =	ssub.s32 @!p0 $0x0, s1;
	[sflag:s0] =	ssyncset.done @!p0 $0x0  }
0x152: {  	[sflag:s0] =	ssyncadd.s32 @!p0 s1  }
0x153: {  	[bflag:$0x3] =	sbarrier.arrive $0xFFFF  }
0x154: {  	_ =	shalt  }

</sc_bundles>
